<compile_context>
chip_gen: v7x
topology: tpu7x:2x2x1
jax: 0.10.2.dev20260603
libtpu: 0.0.44.dev20260713+nightly
codegen_flags: <defaults>
</compile_context>

<pallas_src>
import functools

import jax
import jax.numpy as jnp
from jax import lax
from jax.experimental import pallas as pl
from jax.experimental.pallas import tpu as pltpu
from jax.experimental.pallas import tpu_sc as plsc

VOCAB = 1000000
DIM = 32
B = 4096
L = 200

_INFO = plsc.get_sparse_core_info()
_NC = _INFO.num_cores
_NS = _INFO.num_subcores
_NW = _NC * _NS
_CHUNK = B // _NW
_TPITCH = _CHUNK + 8

_mesh = plsc.VectorSubcoreMesh(core_axis_name="c", subcore_axis_name="s")


@functools.partial(
    pl.kernel,
    mesh=_mesh,
    out_type=jax.ShapeDtypeStruct((L, DIM, B), jnp.float32),
    scratch_types=[
        pltpu.VMEM((_CHUNK, L + 1), jnp.int32),
        pltpu.VMEM((2, _CHUNK), jnp.int32),
        pltpu.VMEM((2, _CHUNK, DIM), jnp.float32),
        pltpu.VMEM((2, DIM, _TPITCH), jnp.float32),
        pltpu.SemaphoreType.DMA,
        pltpu.SemaphoreType.DMA,
    ],
    compiler_params=pltpu.CompilerParams(
        use_tc_tiling_on_sc=False, needs_layout_passes=False),
)
def _gather(idx_hbm, weight_hbm, out_hbm,
            blk_v, idx_v, rows_v, t_v, gsem, ssem):
    wid = lax.axis_index("s") * _NC + lax.axis_index("c")
    b0 = wid * _CHUNK

    pltpu.sync_copy(idx_hbm.at[pl.ds(b0, _CHUNK)], blk_v.at[:, pl.ds(0, L)])

    def build_col(l):
        s = lax.rem(l, 2)
        col = jax.lax.broadcast(l, (16,))
        for k in range(_CHUNK // 16):
            rows = jax.lax.iota(jnp.int32, 16) + k * 16
            v = plsc.load_gather(blk_v, [rows, col])
            idx_v[s, pl.ds(k * 16, 16)] = v

    def gather_start(l, buf):
        pltpu.async_copy(
            weight_hbm.at[idx_v.at[lax.rem(l, 2)]], rows_v.at[buf], gsem)

    def gather_wait(l, buf):
        pltpu.make_async_copy(
            weight_hbm.at[idx_v.at[lax.rem(l, 2)]], rows_v.at[buf], gsem).wait()

    def transpose(buf):
        src = rows_v.at[buf]
        dst = t_v.at[buf]
        d_lo = jax.lax.iota(jnp.int32, 16)
        d_hi = d_lo + 16

        def rbody(r4, _):
            r = r4 * 4
            for u in range(4):
                rr = jax.lax.broadcast(r + u, (16,))
                plsc.store_scatter(dst, [d_lo, rr], src[r + u, pl.ds(0, 16)])
                plsc.store_scatter(dst, [d_hi, rr], src[r + u, pl.ds(16, 16)])
            return 0

        lax.fori_loop(0, _CHUNK // 4, rbody, 0)

    def store_start(l, buf):
        pltpu.async_copy(
            t_v.at[buf, :, pl.ds(0, _CHUNK)],
            out_hbm.at[l, :, pl.ds(b0, _CHUNK)], ssem)

    def store_wait(l, buf):
        pltpu.make_async_copy(
            t_v.at[buf, :, pl.ds(0, _CHUNK)],
            out_hbm.at[l, :, pl.ds(b0, _CHUNK)], ssem).wait()

    build_col(0)
    gather_start(0, 0)

    def body(l, _):
        buf = lax.rem(l, 2)

        @pl.when(l + 1 < L)
        def _():
            build_col(l + 1)

        gather_wait(l, buf)

        @pl.when(l + 1 < L)
        def _():
            gather_start(l + 1, 1 - buf)

        @pl.when(l >= 2)
        def _():
            store_wait(l - 2, buf)

        transpose(buf)
        store_start(l, buf)
        return 0

    lax.fori_loop(0, L, body, 0)
    store_wait(L - 2, 0)
    store_wait(L - 1, 1)


def kernel(tensor, weight):
    out_t = _gather(tensor, weight)
    return jnp.transpose(out_t, (0, 2, 1))

# --- scband reference (transcript-rebuilt; emitter-appended) ---
"""Pipeline reference for scband-embedding-10788957847552 (READ-ONLY COPY).

The authoritative reference and input builder live on the scoring server;
editing this copy changes nothing except your own understanding.
"""

import jax, jax.numpy as jnp
import numpy as np

VOCAB = 1000000
DIM = 32
B = 4096
L = 200


def setup_inputs(seed: int = 0) -> dict:
    key = jax.random.key(seed)
    k1, k2 = jax.random.split(key)
    tensor = jax.random.randint(k1, (B, L), 0, VOCAB, dtype=jnp.int32)
    # learned embedding table passed to the module __init__ as `embedding`
    weight = jax.random.normal(k2, (VOCAB, DIM), dtype=jnp.float32) * 0.02
    return {"tensor": tensor, "weight": weight}


def reference(tensor, weight):
    # nn.Embedding lookup: (B, L) -> (B, L, D)
    emb = jnp.take(weight, tensor, axis=0)
    # .transpose(0, 1): (B, L, D) -> (L, B, D)
    return jnp.transpose(emb, (1, 0, 2))

if __name__ == "__main__":
    import jax
    _d = setup_inputs()
    print(jax.jit(kernel)(*tuple(_d.values())))

</pallas_src>

<mosaic_0001>
#map = affine_map<(d0, d1) -> (0, 0)>
#map1 = affine_map<(d0, d1) -> (0, 0, 0)>
module attributes {stable_mosaic.version = 14 : i64} {
  func.func @_gather(%arg0: i32, %arg1: i32, %arg2: memref<4096x200xi32, #tpu.memory_space<hbm>>, %arg3: memref<1000000x32xf32, #tpu.memory_space<hbm>>, %arg4: memref<200x32x4096xf32, #tpu.memory_space<hbm>>, %arg5: memref<128x201xi32, #tpu.memory_space<vmem>>, %arg6: memref<2x128xi32, #tpu.memory_space<vmem>>, %arg7: memref<2x128x32xf32, #tpu.memory_space<vmem>>, %arg8: memref<2x32x136xf32, #tpu.memory_space<vmem>>, %arg9: memref<!tpu.dma_semaphore, #tpu.memory_space<semaphore_mem>>, %arg10: memref<!tpu.dma_semaphore, #tpu.memory_space<semaphore_mem>>) attributes {dimension_semantics = [#tpu.dimension_semantics<core_parallel>, #tpu.dimension_semantics<subcore_parallel>], iteration_bounds = array<i64: 2, 16>, scalar_prefetch = 0 : i64, scratch_operands = 6 : i64, tpu.core_type = #tpu.core_type<sc_vector_subcore>, window_params = [{transform_indices = #map}, {transform_indices = #map}, {transform_indices = #map1}]} {
    %mul3A = arith.constant 2 : i32
    %mul3A_0 = arith.muli %arg1, %mul3A : i32
    %add3A = arith.addi %mul3A_0, %arg0 : i32
    %mul3A_1 = arith.constant 128 : i32
    %mul3A_2 = arith.muli %add3A, %mul3A_1 : i32
    "tpu.region"() ({
      %run_scoped3A = tpu.sem_alloc : memref<!tpu.dma_semaphore, #tpu.memory_space<semaphore_mem>>
      %dma_start3A_117 = arith.constant 0 : i32
      %dma_start3A_118 = arith.constant 0 : i32
      %dma_start3A_119 = tpu.memref_slice %arg5[%dma_start3A_117, %dma_start3A_118] : memref<128x201xi32, #tpu.memory_space<vmem>> -> memref<128x200xi32, #tpu.memory_space<vmem>>
      %dma_start3A_120 = arith.constant 0 : i32
      %dma_start3A_121 = tpu.memref_slice %arg2[%mul3A_2, %dma_start3A_120] : memref<4096x200xi32, #tpu.memory_space<hbm>> -> memref<128x200xi32, #tpu.memory_space<hbm>>
      %dma_start3A_122 = arith.constant 0 : i32
      %dma_start3A_123 = arith.constant 0 : i32
      %dma_start3A_124 = tpu.memref_slice %arg5[%dma_start3A_122, %dma_start3A_123] : memref<128x201xi32, #tpu.memory_space<vmem>> -> memref<128x200xi32, #tpu.memory_space<vmem>>
      %dma_start3A_125 = arith.constant 0 : i32
      %dma_start3A_126 = tpu.memref_slice %arg2[%mul3A_2, %dma_start3A_125] : memref<4096x200xi32, #tpu.memory_space<hbm>> -> memref<128x200xi32, #tpu.memory_space<hbm>>
      tpu.enqueue_dma source(%dma_start3A_126 : memref<128x200xi32, #tpu.memory_space<hbm>>) target(%dma_start3A_124 : memref<128x200xi32, #tpu.memory_space<vmem>>) target_semaphore(%run_scoped3A : memref<!tpu.dma_semaphore, #tpu.memory_space<semaphore_mem>>)
      %dma_wait3A_127 = arith.constant 0 : i32
      %dma_wait3A_128 = arith.constant 0 : i32
      %dma_wait3A_129 = tpu.memref_slice %arg5[%dma_wait3A_127, %dma_wait3A_128] : memref<128x201xi32, #tpu.memory_space<vmem>> -> memref<128x200xi32, #tpu.memory_space<vmem>>
      %dma_wait3A_130 = arith.constant 0 : i32
      %dma_wait3A_131 = tpu.memref_slice %arg2[%mul3A_2, %dma_wait3A_130] : memref<4096x200xi32, #tpu.memory_space<hbm>> -> memref<128x200xi32, #tpu.memory_space<hbm>>
      %dma_wait3A_132 = arith.constant 0 : i32
      %dma_wait3A_133 = arith.constant 0 : i32
      %dma_wait3A_134 = tpu.memref_slice %arg5[%dma_wait3A_132, %dma_wait3A_133] : memref<128x201xi32, #tpu.memory_space<vmem>> -> memref<128x200xi32, #tpu.memory_space<vmem>>
      %dma_wait3A_135 = arith.constant 0 : i32
      %dma_wait3A_136 = tpu.memref_slice %arg2[%mul3A_2, %dma_wait3A_135] : memref<4096x200xi32, #tpu.memory_space<hbm>> -> memref<128x200xi32, #tpu.memory_space<hbm>>
      tpu.wait_dma2 semaphore(%run_scoped3A : memref<!tpu.dma_semaphore, #tpu.memory_space<semaphore_mem>>) src(%dma_wait3A_136 : memref<128x200xi32, #tpu.memory_space<hbm>>) dst(%dma_wait3A_134 : memref<128x200xi32, #tpu.memory_space<vmem>>)
      tpu.yield
    }) : () -> ()
    %rem3A = arith.constant 0 : i32
    %rem3A_3 = arith.constant 2 : i32
    %rem3A_4 = arith.remsi %rem3A, %rem3A_3 : i32
    %broadcast_in_dim3A = arith.constant 0 : i32
    %broadcast_in_dim3A_5 = vector.broadcast %broadcast_in_dim3A : i32 to vector<16xi32>
    %iota3A = tpu.iota {dimensions = array<i32: 0>} : vector<16xi32>
    %add3A_6 = arith.constant 0 : i32
    %add3A_7 = vector.broadcast %add3A_6 : i32 to vector<16xi32>
    %add3A_8 = arith.addi %iota3A, %add3A_7 : vector<16xi32>
    %gather3A = tpu.vector_load_idx %arg5[%add3A_8, %broadcast_in_dim3A_5] : memref<128x201xi32, #tpu.memory_space<vmem>>[vector<16xi32>, vector<16xi32>], vector<16xi32>,
    %swap3A = arith.index_cast %rem3A_4 : i32 to index
    %swap3A_9 = arith.constant 0 : index
    %swap3A_10 = tpu.vector_load %arg6[%swap3A, %swap3A_9] {strides = array<i32>} : memref<2x128xi32, #tpu.memory_space<vmem>>, vector<16xi32>,
    tpu.vector_store %arg6[%swap3A, %swap3A_9], %gather3A {strides = array<i32>} : memref<2x128xi32, #tpu.memory_space<vmem>>, vector<16xi32>,
    %iota3A_11 = tpu.iota {dimensions = array<i32: 0>} : vector<16xi32>
    %add3A_12 = arith.constant 16 : i32
    %add3A_13 = vector.broadcast %add3A_12 : i32 to vector<16xi32>
    %add3A_14 = arith.addi %iota3A_11, %add3A_13 : vector<16xi32>
    %gather3A_15 = tpu.vector_load_idx %arg5[%add3A_14, %broadcast_in_dim3A_5] : memref<128x201xi32, #tpu.memory_space<vmem>>[vector<16xi32>, vector<16xi32>], vector<16xi32>,
    %swap3A_16 = arith.index_cast %rem3A_4 : i32 to index
    %swap3A_17 = arith.constant 16 : index
    %swap3A_18 = tpu.vector_load %arg6[%swap3A_16, %swap3A_17] {strides = array<i32>} : memref<2x128xi32, #tpu.memory_space<vmem>>, vector<16xi32>,
    tpu.vector_store %arg6[%swap3A_16, %swap3A_17], %gather3A_15 {strides = array<i32>} : memref<2x128xi32, #tpu.memory_space<vmem>>, vector<16xi32>,
    %iota3A_19 = tpu.iota {dimensions = array<i32: 0>} : vector<16xi32>
    %add3A_20 = arith.constant 32 : i32
    %add3A_21 = vector.broadcast %add3A_20 : i32 to vector<16xi32>
    %add3A_22 = arith.addi %iota3A_19, %add3A_21 : vector<16xi32>
    %gather3A_23 = tpu.vector_load_idx %arg5[%add3A_22, %broadcast_in_dim3A_5] : memref<128x201xi32, #tpu.memory_space<vmem>>[vector<16xi32>, vector<16xi32>], vector<16xi32>,
    %swap3A_24 = arith.index_cast %rem3A_4 : i32 to index
    %swap3A_25 = arith.constant 32 : index
    %swap3A_26 = tpu.vector_load %arg6[%swap3A_24, %swap3A_25] {strides = array<i32>} : memref<2x128xi32, #tpu.memory_space<vmem>>, vector<16xi32>,
    tpu.vector_store %arg6[%swap3A_24, %swap3A_25], %gather3A_23 {strides = array<i32>} : memref<2x128xi32, #tpu.memory_space<vmem>>, vector<16xi32>,
    %iota3A_27 = tpu.iota {dimensions = array<i32: 0>} : vector<16xi32>
    %add3A_28 = arith.constant 48 : i32
    %add3A_29 = vector.broadcast %add3A_28 : i32 to vector<16xi32>
    %add3A_30 = arith.addi %iota3A_27, %add3A_29 : vector<16xi32>
    %gather3A_31 = tpu.vector_load_idx %arg5[%add3A_30, %broadcast_in_dim3A_5] : memref<128x201xi32, #tpu.memory_space<vmem>>[vector<16xi32>, vector<16xi32>], vector<16xi32>,
    %swap3A_32 = arith.index_cast %rem3A_4 : i32 to index
    %swap3A_33 = arith.constant 48 : index
    %swap3A_34 = tpu.vector_load %arg6[%swap3A_32, %swap3A_33] {strides = array<i32>} : memref<2x128xi32, #tpu.memory_space<vmem>>, vector<16xi32>,
    tpu.vector_store %arg6[%swap3A_32, %swap3A_33], %gather3A_31 {strides = array<i32>} : memref<2x128xi32, #tpu.memory_space<vmem>>, vector<16xi32>,
    %iota3A_35 = tpu.iota {dimensions = array<i32: 0>} : vector<16xi32>
    %add3A_36 = arith.constant 64 : i32
    %add3A_37 = vector.broadcast %add3A_36 : i32 to vector<16xi32>
    %add3A_38 = arith.addi %iota3A_35, %add3A_37 : vector<16xi32>
    %gather3A_39 = tpu.vector_load_idx %arg5[%add3A_38, %broadcast_in_dim3A_5] : memref<128x201xi32, #tpu.memory_space<vmem>>[vector<16xi32>, vector<16xi32>], vector<16xi32>,
    %swap3A_40 = arith.index_cast %rem3A_4 : i32 to index
    %swap3A_41 = arith.constant 64 : index
    %swap3A_42 = tpu.vector_load %arg6[%swap3A_40, %swap3A_41] {strides = array<i32>} : memref<2x128xi32, #tpu.memory_space<vmem>>, vector<16xi32>,
    tpu.vector_store %arg6[%swap3A_40, %swap3A_41], %gather3A_39 {strides = array<i32>} : memref<2x128xi32, #tpu.memory_space<vmem>>, vector<16xi32>,
    %iota3A_43 = tpu.iota {dimensions = array<i32: 0>} : vector<16xi32>
    %add3A_44 = arith.constant 80 : i32
    %add3A_45 = vector.broadcast %add3A_44 : i32 to vector<16xi32>
    %add3A_46 = arith.addi %iota3A_43, %add3A_45 : vector<16xi32>
    %gather3A_47 = tpu.vector_load_idx %arg5[%add3A_46, %broadcast_in_dim3A_5] : memref<128x201xi32, #tpu.memory_space<vmem>>[vector<16xi32>, vector<16xi32>], vector<16xi32>,
    %swap3A_48 = arith.index_cast %rem3A_4 : i32 to index
    %swap3A_49 = arith.constant 80 : index
    %swap3A_50 = tpu.vector_load %arg6[%swap3A_48, %swap3A_49] {strides = array<i32>} : memref<2x128xi32, #tpu.memory_space<vmem>>, vector<16xi32>,
    tpu.vector_store %arg6[%swap3A_48, %swap3A_49], %gather3A_47 {strides = array<i32>} : memref<2x128xi32, #tpu.memory_space<vmem>>, vector<16xi32>,
    %iota3A_51 = tpu.iota {dimensions = array<i32: 0>} : vector<16xi32>
    %add3A_52 = arith.constant 96 : i32
    %add3A_53 = vector.broadcast %add3A_52 : i32 to vector<16xi32>
    %add3A_54 = arith.addi %iota3A_51, %add3A_53 : vector<16xi32>
    %gather3A_55 = tpu.vector_load_idx %arg5[%add3A_54, %broadcast_in_dim3A_5] : memref<128x201xi32, #tpu.memory_space<vmem>>[vector<16xi32>, vector<16xi32>], vector<16xi32>,
    %swap3A_56 = arith.index_cast %rem3A_4 : i32 to index
    %swap3A_57 = arith.constant 96 : index
    %swap3A_58 = tpu.vector_load %arg6[%swap3A_56, %swap3A_57] {strides = array<i32>} : memref<2x128xi32, #tpu.memory_space<vmem>>, vector<16xi32>,
    tpu.vector_store %arg6[%swap3A_56, %swap3A_57], %gather3A_55 {strides = array<i32>} : memref<2x128xi32, #tpu.memory_space<vmem>>, vector<16xi32>,
    %iota3A_59 = tpu.iota {dimensions = array<i32: 0>} : vector<16xi32>
    %add3A_60 = arith.constant 112 : i32
    %add3A_61 = vector.broadcast %add3A_60 : i32 to vector<16xi32>
    %add3A_62 = arith.addi %iota3A_59, %add3A_61 : vector<16xi32>
    %gather3A_63 = tpu.vector_load_idx %arg5[%add3A_62, %broadcast_in_dim3A_5] : memref<128x201xi32, #tpu.memory_space<vmem>>[vector<16xi32>, vector<16xi32>], vector<16xi32>,
    %swap3A_64 = arith.index_cast %rem3A_4 : i32 to index
    %swap3A_65 = arith.constant 112 : index
    %swap3A_66 = tpu.vector_load %arg6[%swap3A_64, %swap3A_65] {strides = array<i32>} : memref<2x128xi32, #tpu.memory_space<vmem>>, vector<16xi32>,
    tpu.vector_store %arg6[%swap3A_64, %swap3A_65], %gather3A_63 {strides = array<i32>} : memref<2x128xi32, #tpu.memory_space<vmem>>, vector<16xi32>,
    %rem3A_67 = arith.constant 0 : i32
    %rem3A_68 = arith.constant 2 : i32
    %rem3A_69 = arith.remsi %rem3A_67, %rem3A_68 : i32
    %dma_start3A = arith.constant 0 : i32
    %dma_start3A_70 = arith.constant 0 : i32
    %dma_start3A_71 = arith.constant 0 : i32
    %dma_start3A_72 = tpu.memref_slice %arg7[%dma_start3A, %dma_start3A_70, %dma_start3A_71] : memref<2x128x32xf32, #tpu.memory_space<vmem>> -> memref<1x128x32xf32, #tpu.memory_space<vmem>>
    %dma_start3A_73 = tpu.memref_squeeze %dma_start3A_72 : memref<1x128x32xf32, #tpu.memory_space<vmem>> -> memref<128x32xf32, #tpu.memory_space<vmem>>
    %dma_start3A_74 = arith.constant 0 : i32
    %dma_start3A_75 = tpu.memref_slice %arg6[%rem3A_69, %dma_start3A_74] : memref<2x128xi32, #tpu.memory_space<vmem>> -> memref<1x128xi32, #tpu.memory_space<vmem>>
    %dma_start3A_76 = tpu.memref_squeeze %dma_start3A_75 : memref<1x128xi32, #tpu.memory_space<vmem>> -> memref<128xi32, #tpu.memory_space<vmem>>
    %dma_start3A_77 = arith.constant 0 : i32
    %dma_start3A_78 = arith.constant 0 : i32
    %dma_start3A_79 = tpu.memref_slice %arg3[%dma_start3A_77, %dma_start3A_78] : memref<1000000x32xf32, #tpu.memory_space<hbm>> -> memref<1000000x32xf32, #tpu.memory_space<hbm>>
    tpu.enqueue_indirect_dma source(%dma_start3A_79 : memref<1000000x32xf32, #tpu.memory_space<hbm>>) target(%dma_start3A_73 : memref<128x32xf32, #tpu.memory_space<vmem>>) offsets(%dma_start3A_76 : memref<128xi32, #tpu.memory_space<vmem>>) semaphore(%arg9 : memref<!tpu.dma_semaphore, #tpu.memory_space<semaphore_mem>>)
    %scan3A = arith.constant 0 : i32
    %scan3A_80 = arith.constant 0 : i32
    %scan3A_81 = arith.constant 200 : i32
    %scan3A_82 = arith.addi %scan3A_80, %scan3A_81 : i32
    %scan3A_83 = arith.constant 1 : i32
    %scan3A_84 = scf.for %scan3A_117 = %scan3A_80 to %scan3A_82 step %scan3A_83 iter_args(%scan3A_118 = %scan3A) -> (i32)  : i32 {
      %rem3A_119 = arith.constant 2 : i32
      %rem3A_120 = arith.remsi %scan3A_117, %rem3A_119 : i32
      %add3A_121 = arith.constant 1 : i32
      %add3A_122 = arith.addi %scan3A_117, %add3A_121 : i32
      %lt3A = arith.constant 200 : i32
      %lt3A_123 = arith.cmpi slt, %add3A_122, %lt3A : i32
      %convert_element_type3A = arith.extui %lt3A_123 : i1 to i32
      %cond3A = arith.constant 0 : i32
      %cond3A_124 = arith.cmpi ne, %convert_element_type3A, %cond3A : i32
      scf.if %cond3A_124 {
        %add3A_174 = arith.constant 1 : i32
        %add3A_175 = arith.addi %scan3A_117, %add3A_174 : i32
        %rem3A_176 = arith.constant 2 : i32
        %rem3A_177 = arith.remsi %add3A_175, %rem3A_176 : i32
        %broadcast_in_dim3A_178 = vector.broadcast %add3A_175 : i32 to vector<16xi32>
        %iota3A_179 = tpu.iota {dimensions = array<i32: 0>} : vector<16xi32>
        %add3A_180 = arith.constant 0 : i32
        %add3A_181 = vector.broadcast %add3A_180 : i32 to vector<16xi32>
        %add3A_182 = arith.addi %iota3A_179, %add3A_181 : vector<16xi32>
        %gather3A_183 = tpu.vector_load_idx %arg5[%add3A_182, %broadcast_in_dim3A_178] : memref<128x201xi32, #tpu.memory_space<vmem>>[vector<16xi32>, vector<16xi32>], vector<16xi32>,
        %swap3A_184 = arith.index_cast %rem3A_177 : i32 to index
        %swap3A_185 = arith.constant 0 : index
        %swap3A_186 = tpu.vector_load %arg6[%swap3A_184, %swap3A_185] {strides = array<i32>} : memref<2x128xi32, #tpu.memory_space<vmem>>, vector<16xi32>,
        tpu.vector_store %arg6[%swap3A_184, %swap3A_185], %gather3A_183 {strides = array<i32>} : memref<2x128xi32, #tpu.memory_space<vmem>>, vector<16xi32>,
        %iota3A_187 = tpu.iota {dimensions = array<i32: 0>} : vector<16xi32>
        %add3A_188 = arith.constant 16 : i32
        %add3A_189 = vector.broadcast %add3A_188 : i32 to vector<16xi32>
        %add3A_190 = arith.addi %iota3A_187, %add3A_189 : vector<16xi32>
        %gather3A_191 = tpu.vector_load_idx %arg5[%add3A_190, %broadcast_in_dim3A_178] : memref<128x201xi32, #tpu.memory_space<vmem>>[vector<16xi32>, vector<16xi32>], vector<16xi32>,
        %swap3A_192 = arith.index_cast %rem3A_177 : i32 to index
        %swap3A_193 = arith.constant 16 : index
        %swap3A_194 = tpu.vector_load %arg6[%swap3A_192, %swap3A_193] {strides = array<i32>} : memref<2x128xi32, #tpu.memory_space<vmem>>, vector<16xi32>,
        tpu.vector_store %arg6[%swap3A_192, %swap3A_193], %gather3A_191 {strides = array<i32>} : memref<2x128xi32, #tpu.memory_space<vmem>>, vector<16xi32>,
        %iota3A_195 = tpu.iota {dimensions = array<i32: 0>} : vector<16xi32>
        %add3A_196 = arith.constant 32 : i32
        %add3A_197 = vector.broadcast %add3A_196 : i32 to vector<16xi32>
        %add3A_198 = arith.addi %iota3A_195, %add3A_197 : vector<16xi32>
        %gather3A_199 = tpu.vector_load_idx %arg5[%add3A_198, %broadcast_in_dim3A_178] : memref<128x201xi32, #tpu.memory_space<vmem>>[vector<16xi32>, vector<16xi32>], vector<16xi32>,
        %swap3A_200 = arith.index_cast %rem3A_177 : i32 to index
        %swap3A_201 = arith.constant 32 : index
        %swap3A_202 = tpu.vector_load %arg6[%swap3A_200, %swap3A_201] {strides = array<i32>} : memref<2x128xi32, #tpu.memory_space<vmem>>, vector<16xi32>,
        tpu.vector_store %arg6[%swap3A_200, %swap3A_201], %gather3A_199 {strides = array<i32>} : memref<2x128xi32, #tpu.memory_space<vmem>>, vector<16xi32>,
        %iota3A_203 = tpu.iota {dimensions = array<i32: 0>} : vector<16xi32>
        %add3A_204 = arith.constant 48 : i32
        %add3A_205 = vector.broadcast %add3A_204 : i32 to vector<16xi32>
        %add3A_206 = arith.addi %iota3A_203, %add3A_205 : vector<16xi32>
        %gather3A_207 = tpu.vector_load_idx %arg5[%add3A_206, %broadcast_in_dim3A_178] : memref<128x201xi32, #tpu.memory_space<vmem>>[vector<16xi32>, vector<16xi32>], vector<16xi32>,
        %swap3A_208 = arith.index_cast %rem3A_177 : i32 to index
        %swap3A_209 = arith.constant 48 : index
        %swap3A_210 = tpu.vector_load %arg6[%swap3A_208, %swap3A_209] {strides = array<i32>} : memref<2x128xi32, #tpu.memory_space<vmem>>, vector<16xi32>,
        tpu.vector_store %arg6[%swap3A_208, %swap3A_209], %gather3A_207 {strides = array<i32>} : memref<2x128xi32, #tpu.memory_space<vmem>>, vector<16xi32>,
        %iota3A_211 = tpu.iota {dimensions = array<i32: 0>} : vector<16xi32>
        %add3A_212 = arith.constant 64 : i32
        %add3A_213 = vector.broadcast %add3A_212 : i32 to vector<16xi32>
        %add3A_214 = arith.addi %iota3A_211, %add3A_213 : vector<16xi32>
        %gather3A_215 = tpu.vector_load_idx %arg5[%add3A_214, %broadcast_in_dim3A_178] : memref<128x201xi32, #tpu.memory_space<vmem>>[vector<16xi32>, vector<16xi32>], vector<16xi32>,
        %swap3A_216 = arith.index_cast %rem3A_177 : i32 to index
        %swap3A_217 = arith.constant 64 : index
        %swap3A_218 = tpu.vector_load %arg6[%swap3A_216, %swap3A_217] {strides = array<i32>} : memref<2x128xi32, #tpu.memory_space<vmem>>, vector<16xi32>,
        tpu.vector_store %arg6[%swap3A_216, %swap3A_217], %gather3A_215 {strides = array<i32>} : memref<2x128xi32, #tpu.memory_space<vmem>>, vector<16xi32>,
        %iota3A_219 = tpu.iota {dimensions = array<i32: 0>} : vector<16xi32>
        %add3A_220 = arith.constant 80 : i32
        %add3A_221 = vector.broadcast %add3A_220 : i32 to vector<16xi32>
        %add3A_222 = arith.addi %iota3A_219, %add3A_221 : vector<16xi32>
        %gather3A_223 = tpu.vector_load_idx %arg5[%add3A_222, %broadcast_in_dim3A_178] : memref<128x201xi32, #tpu.memory_space<vmem>>[vector<16xi32>, vector<16xi32>], vector<16xi32>,
        %swap3A_224 = arith.index_cast %rem3A_177 : i32 to index
        %swap3A_225 = arith.constant 80 : index
        %swap3A_226 = tpu.vector_load %arg6[%swap3A_224, %swap3A_225] {strides = array<i32>} : memref<2x128xi32, #tpu.memory_space<vmem>>, vector<16xi32>,
        tpu.vector_store %arg6[%swap3A_224, %swap3A_225], %gather3A_223 {strides = array<i32>} : memref<2x128xi32, #tpu.memory_space<vmem>>, vector<16xi32>,
        %iota3A_227 = tpu.iota {dimensions = array<i32: 0>} : vector<16xi32>
        %add3A_228 = arith.constant 96 : i32
        %add3A_229 = vector.broadcast %add3A_228 : i32 to vector<16xi32>
        %add3A_230 = arith.addi %iota3A_227, %add3A_229 : vector<16xi32>
        %gather3A_231 = tpu.vector_load_idx %arg5[%add3A_230, %broadcast_in_dim3A_178] : memref<128x201xi32, #tpu.memory_space<vmem>>[vector<16xi32>, vector<16xi32>], vector<16xi32>,
        %swap3A_232 = arith.index_cast %rem3A_177 : i32 to index
        %swap3A_233 = arith.constant 96 : index
        %swap3A_234 = tpu.vector_load %arg6[%swap3A_232, %swap3A_233] {strides = array<i32>} : memref<2x128xi32, #tpu.memory_space<vmem>>, vector<16xi32>,
        tpu.vector_store %arg6[%swap3A_232, %swap3A_233], %gather3A_231 {strides = array<i32>} : memref<2x128xi32, #tpu.memory_space<vmem>>, vector<16xi32>,
        %iota3A_235 = tpu.iota {dimensions = array<i32: 0>} : vector<16xi32>
        %add3A_236 = arith.constant 112 : i32
        %add3A_237 = vector.broadcast %add3A_236 : i32 to vector<16xi32>
        %add3A_238 = arith.addi %iota3A_235, %add3A_237 : vector<16xi32>
        %gather3A_239 = tpu.vector_load_idx %arg5[%add3A_238, %broadcast_in_dim3A_178] : memref<128x201xi32, #tpu.memory_space<vmem>>[vector<16xi32>, vector<16xi32>], vector<16xi32>,
        %swap3A_240 = arith.index_cast %rem3A_177 : i32 to index
        %swap3A_241 = arith.constant 112 : index
        %swap3A_242 = tpu.vector_load %arg6[%swap3A_240, %swap3A_241] {strides = array<i32>} : memref<2x128xi32, #tpu.memory_space<vmem>>, vector<16xi32>,
        tpu.vector_store %arg6[%swap3A_240, %swap3A_241], %gather3A_239 {strides = array<i32>} : memref<2x128xi32, #tpu.memory_space<vmem>>, vector<16xi32>,
      } else {
      }
      %rem3A_125 = arith.constant 2 : i32
      %rem3A_126 = arith.remsi %scan3A_117, %rem3A_125 : i32
      %dma_wait3A_127 = arith.constant 0 : i32
      %dma_wait3A_128 = arith.constant 0 : i32
      %dma_wait3A_129 = tpu.memref_slice %arg7[%rem3A_120, %dma_wait3A_127, %dma_wait3A_128] : memref<2x128x32xf32, #tpu.memory_space<vmem>> -> memref<1x128x32xf32, #tpu.memory_space<vmem>>
      %dma_wait3A_130 = tpu.memref_squeeze %dma_wait3A_129 : memref<1x128x32xf32, #tpu.memory_space<vmem>> -> memref<128x32xf32, #tpu.memory_space<vmem>>
      %dma_wait3A_131 = arith.constant 0 : i32
      %dma_wait3A_132 = tpu.memref_slice %arg6[%rem3A_126, %dma_wait3A_131] : memref<2x128xi32, #tpu.memory_space<vmem>> -> memref<1x128xi32, #tpu.memory_space<vmem>>
      %dma_wait3A_133 = tpu.memref_squeeze %dma_wait3A_132 : memref<1x128xi32, #tpu.memory_space<vmem>> -> memref<128xi32, #tpu.memory_space<vmem>>
      %dma_wait3A_134 = arith.constant 0 : i32
      %dma_wait3A_135 = arith.constant 0 : i32
      %dma_wait3A_136 = tpu.memref_slice %arg3[%dma_wait3A_134, %dma_wait3A_135] : memref<1000000x32xf32, #tpu.memory_space<hbm>> -> memref<1000000x32xf32, #tpu.memory_space<hbm>>
      tpu.wait_indirect_dma semaphore(%arg9 : memref<!tpu.dma_semaphore, #tpu.memory_space<semaphore_mem>>) src(%dma_wait3A_136 : memref<1000000x32xf32, #tpu.memory_space<hbm>>) dst(%dma_wait3A_130 : memref<128x32xf32, #tpu.memory_space<vmem>>)
      %add3A_137 = arith.constant 1 : i32
      %add3A_138 = arith.addi %scan3A_117, %add3A_137 : i32
      %lt3A_139 = arith.constant 200 : i32
      %lt3A_140 = arith.cmpi slt, %add3A_138, %lt3A_139 : i32
      %convert_element_type3A_141 = arith.extui %lt3A_140 : i1 to i32
      %cond3A_142 = arith.constant 0 : i32
      %cond3A_143 = arith.cmpi ne, %convert_element_type3A_141, %cond3A_142 : i32
      scf.if %cond3A_143 {
        %add3A_174 = arith.constant 1 : i32
        %add3A_175 = arith.addi %scan3A_117, %add3A_174 : i32
        %sub3A = arith.constant 1 : i32
        %sub3A_176 = arith.subi %sub3A, %rem3A_120 : i32
        %rem3A_177 = arith.constant 2 : i32
        %rem3A_178 = arith.remsi %add3A_175, %rem3A_177 : i32
        %dma_start3A_179 = arith.constant 0 : i32
        %dma_start3A_180 = arith.constant 0 : i32
        %dma_start3A_181 = tpu.memref_slice %arg7[%sub3A_176, %dma_start3A_179, %dma_start3A_180] : memref<2x128x32xf32, #tpu.memory_space<vmem>> -> memref<1x128x32xf32, #tpu.memory_space<vmem>>
        %dma_start3A_182 = tpu.memref_squeeze %dma_start3A_181 : memref<1x128x32xf32, #tpu.memory_space<vmem>> -> memref<128x32xf32, #tpu.memory_space<vmem>>
        %dma_start3A_183 = arith.constant 0 : i32
        %dma_start3A_184 = tpu.memref_slice %arg6[%rem3A_178, %dma_start3A_183] : memref<2x128xi32, #tpu.memory_space<vmem>> -> memref<1x128xi32, #tpu.memory_space<vmem>>
        %dma_start3A_185 = tpu.memref_squeeze %dma_start3A_184 : memref<1x128xi32, #tpu.memory_space<vmem>> -> memref<128xi32, #tpu.memory_space<vmem>>
        %dma_start3A_186 = arith.constant 0 : i32
        %dma_start3A_187 = arith.constant 0 : i32
        %dma_start3A_188 = tpu.memref_slice %arg3[%dma_start3A_186, %dma_start3A_187] : memref<1000000x32xf32, #tpu.memory_space<hbm>> -> memref<1000000x32xf32, #tpu.memory_space<hbm>>
        tpu.enqueue_indirect_dma source(%dma_start3A_188 : memref<1000000x32xf32, #tpu.memory_space<hbm>>) target(%dma_start3A_182 : memref<128x32xf32, #tpu.memory_space<vmem>>) offsets(%dma_start3A_185 : memref<128xi32, #tpu.memory_space<vmem>>) semaphore(%arg9 : memref<!tpu.dma_semaphore, #tpu.memory_space<semaphore_mem>>)
      } else {
      }
      %ge3A = arith.constant 2 : i32
      %ge3A_144 = arith.cmpi sge, %scan3A_117, %ge3A : i32
      %convert_element_type3A_145 = arith.extui %ge3A_144 : i1 to i32
      %cond3A_146 = arith.constant 0 : i32
      %cond3A_147 = arith.cmpi ne, %convert_element_type3A_145, %cond3A_146 : i32
      scf.if %cond3A_147 {
        %sub3A = arith.constant 2 : i32
        %sub3A_174 = arith.subi %scan3A_117, %sub3A : i32
        %dma_wait3A_175 = arith.constant 0 : i32
        %dma_wait3A_176 = arith.constant 0 : i32
        %dma_wait3A_177 = tpu.memref_slice %arg8[%rem3A_120, %dma_wait3A_175, %dma_wait3A_176] : memref<2x32x136xf32, #tpu.memory_space<vmem>> -> memref<1x32x128xf32, #tpu.memory_space<vmem>>
        %dma_wait3A_178 = tpu.memref_squeeze %dma_wait3A_177 : memref<1x32x128xf32, #tpu.memory_space<vmem>> -> memref<32x128xf32, #tpu.memory_space<vmem>>
        %dma_wait3A_179 = arith.constant 0 : i32
        %dma_wait3A_180 = tpu.memref_slice %arg4[%sub3A_174, %dma_wait3A_179, %mul3A_2] : memref<200x32x4096xf32, #tpu.memory_space<hbm>> -> memref<1x32x128xf32, #tpu.memory_space<hbm>>
        %dma_wait3A_181 = tpu.memref_squeeze %dma_wait3A_180 : memref<1x32x128xf32, #tpu.memory_space<hbm>> -> memref<32x128xf32, #tpu.memory_space<hbm>>
        %dma_wait3A_182 = arith.constant 0 : i32
        %dma_wait3A_183 = tpu.memref_slice %arg4[%sub3A_174, %dma_wait3A_182, %mul3A_2] : memref<200x32x4096xf32, #tpu.memory_space<hbm>> -> memref<1x32x128xf32, #tpu.memory_space<hbm>>
        %dma_wait3A_184 = tpu.memref_squeeze %dma_wait3A_183 : memref<1x32x128xf32, #tpu.memory_space<hbm>> -> memref<32x128xf32, #tpu.memory_space<hbm>>
        %dma_wait3A_185 = arith.constant 0 : i32
        %dma_wait3A_186 = arith.constant 0 : i32
        %dma_wait3A_187 = tpu.memref_slice %arg8[%rem3A_120, %dma_wait3A_185, %dma_wait3A_186] : memref<2x32x136xf32, #tpu.memory_space<vmem>> -> memref<1x32x128xf32, #tpu.memory_space<vmem>>
        %dma_wait3A_188 = tpu.memref_squeeze %dma_wait3A_187 : memref<1x32x128xf32, #tpu.memory_space<vmem>> -> memref<32x128xf32, #tpu.memory_space<vmem>>
        tpu.wait_dma2 semaphore(%arg10 : memref<!tpu.dma_semaphore, #tpu.memory_space<semaphore_mem>>) src(%dma_wait3A_188 : memref<32x128xf32, #tpu.memory_space<vmem>>) dst(%dma_wait3A_184 : memref<32x128xf32, #tpu.memory_space<hbm>>)
      } else {
      }
      %iota3A_148 = tpu.iota {dimensions = array<i32: 0>} : vector<16xi32>
      %add3A_149 = arith.constant 16 : i32
      %add3A_150 = vector.broadcast %add3A_149 : i32 to vector<16xi32>
      %add3A_151 = arith.addi %iota3A_148, %add3A_150 : vector<16xi32>
      %scan3A_152 = arith.constant 0 : i32
      %scan3A_153 = arith.constant 0 : i32
      %scan3A_154 = arith.constant 32 : i32
      %scan3A_155 = arith.addi %scan3A_153, %scan3A_154 : i32
      %scan3A_156 = arith.constant 1 : i32
      %scan3A_157 = scf.for %scan3A_174 = %scan3A_153 to %scan3A_155 step %scan3A_156 iter_args(%scan3A_175 = %scan3A_152) -> (i32)  : i32 {
        %mul3A_176 = arith.constant 4 : i32
        %mul3A_177 = arith.muli %scan3A_174, %mul3A_176 : i32
        %add3A_178 = arith.constant 0 : i32
        %add3A_179 = arith.addi %mul3A_177, %add3A_178 : i32
        %broadcast_in_dim3A_180 = vector.broadcast %add3A_179 : i32 to vector<16xi32>
        %add3A_181 = arith.constant 0 : i32
        %add3A_182 = arith.addi %mul3A_177, %add3A_181 : i32
        %get3A = arith.constant 0 : i32
        %get3A_183 = arith.constant 0 : i32
        %get3A_184 = tpu.memref_slice %arg7[%rem3A_120, %get3A, %get3A_183] : memref<2x128x32xf32, #tpu.memory_space<vmem>> -> memref<1x128x32xf32, #tpu.memory_space<vmem>>
        %get3A_185 = tpu.memref_squeeze %get3A_184 : memref<1x128x32xf32, #tpu.memory_space<vmem>> -> memref<128x32xf32, #tpu.memory_space<vmem>>
        %get3A_186 = arith.index_cast %add3A_182 : i32 to index
        %get3A_187 = arith.constant 0 : index
        %get3A_188 = tpu.vector_load %get3A_185[%get3A_186, %get3A_187] {strides = array<i32>} : memref<128x32xf32, #tpu.memory_space<vmem>>, vector<16xf32>,
        %scatter3A = arith.constant 0 : i32
        %scatter3A_189 = arith.constant 0 : i32
        %scatter3A_190 = tpu.memref_slice %arg8[%rem3A_120, %scatter3A, %scatter3A_189] : memref<2x32x136xf32, #tpu.memory_space<vmem>> -> memref<1x32x136xf32, #tpu.memory_space<vmem>>
        %scatter3A_191 = tpu.memref_squeeze %scatter3A_190 : memref<1x32x136xf32, #tpu.memory_space<vmem>> -> memref<32x136xf32, #tpu.memory_space<vmem>>
        tpu.vector_store_idx %scatter3A_191[%iota3A_148, %broadcast_in_dim3A_180], %get3A_188 : memref<32x136xf32, #tpu.memory_space<vmem>>[vector<16xi32>, vector<16xi32>], vector<16xf32>,
        %add3A_192 = arith.constant 0 : i32
        %add3A_193 = arith.addi %mul3A_177, %add3A_192 : i32
        %get3A_194 = arith.constant 0 : i32
        %get3A_195 = arith.constant 0 : i32
        %get3A_196 = tpu.memref_slice %arg7[%rem3A_120, %get3A_194, %get3A_195] : memref<2x128x32xf32, #tpu.memory_space<vmem>> -> memref<1x128x32xf32, #tpu.memory_space<vmem>>
        %get3A_197 = tpu.memref_squeeze %get3A_196 : memref<1x128x32xf32, #tpu.memory_space<vmem>> -> memref<128x32xf32, #tpu.memory_space<vmem>>
        %get3A_198 = arith.index_cast %add3A_193 : i32 to index
        %get3A_199 = arith.constant 16 : index
        %get3A_200 = tpu.vector_load %get3A_197[%get3A_198, %get3A_199] {strides = array<i32>} : memref<128x32xf32, #tpu.memory_space<vmem>>, vector<16xf32>,
        %scatter3A_201 = arith.constant 0 : i32
        %scatter3A_202 = arith.constant 0 : i32
        %scatter3A_203 = tpu.memref_slice %arg8[%rem3A_120, %scatter3A_201, %scatter3A_202] : memref<2x32x136xf32, #tpu.memory_space<vmem>> -> memref<1x32x136xf32, #tpu.memory_space<vmem>>
        %scatter3A_204 = tpu.memref_squeeze %scatter3A_203 : memref<1x32x136xf32, #tpu.memory_space<vmem>> -> memref<32x136xf32, #tpu.memory_space<vmem>>
        tpu.vector_store_idx %scatter3A_204[%add3A_151, %broadcast_in_dim3A_180], %get3A_200 : memref<32x136xf32, #tpu.memory_space<vmem>>[vector<16xi32>, vector<16xi32>], vector<16xf32>,
        %add3A_205 = arith.constant 1 : i32
        %add3A_206 = arith.addi %mul3A_177, %add3A_205 : i32
        %broadcast_in_dim3A_207 = vector.broadcast %add3A_206 : i32 to vector<16xi32>
        %add3A_208 = arith.constant 1 : i32
        %add3A_209 = arith.addi %mul3A_177, %add3A_208 : i32
        %get3A_210 = arith.constant 0 : i32
        %get3A_211 = arith.constant 0 : i32
        %get3A_212 = tpu.memref_slice %arg7[%rem3A_120, %get3A_210, %get3A_211] : memref<2x128x32xf32, #tpu.memory_space<vmem>> -> memref<1x128x32xf32, #tpu.memory_space<vmem>>
        %get3A_213 = tpu.memref_squeeze %get3A_212 : memref<1x128x32xf32, #tpu.memory_space<vmem>> -> memref<128x32xf32, #tpu.memory_space<vmem>>
        %get3A_214 = arith.index_cast %add3A_209 : i32 to index
        %get3A_215 = arith.constant 0 : index
        %get3A_216 = tpu.vector_load %get3A_213[%get3A_214, %get3A_215] {strides = array<i32>} : memref<128x32xf32, #tpu.memory_space<vmem>>, vector<16xf32>,
        %scatter3A_217 = arith.constant 0 : i32
        %scatter3A_218 = arith.constant 0 : i32
        %scatter3A_219 = tpu.memref_slice %arg8[%rem3A_120, %scatter3A_217, %scatter3A_218] : memref<2x32x136xf32, #tpu.memory_space<vmem>> -> memref<1x32x136xf32, #tpu.memory_space<vmem>>
        %scatter3A_220 = tpu.memref_squeeze %scatter3A_219 : memref<1x32x136xf32, #tpu.memory_space<vmem>> -> memref<32x136xf32, #tpu.memory_space<vmem>>
        tpu.vector_store_idx %scatter3A_220[%iota3A_148, %broadcast_in_dim3A_207], %get3A_216 : memref<32x136xf32, #tpu.memory_space<vmem>>[vector<16xi32>, vector<16xi32>], vector<16xf32>,
        %add3A_221 = arith.constant 1 : i32
        %add3A_222 = arith.addi %mul3A_177, %add3A_221 : i32
        %get3A_223 = arith.constant 0 : i32
        %get3A_224 = arith.constant 0 : i32
        %get3A_225 = tpu.memref_slice %arg7[%rem3A_120, %get3A_223, %get3A_224] : memref<2x128x32xf32, #tpu.memory_space<vmem>> -> memref<1x128x32xf32, #tpu.memory_space<vmem>>
        %get3A_226 = tpu.memref_squeeze %get3A_225 : memref<1x128x32xf32, #tpu.memory_space<vmem>> -> memref<128x32xf32, #tpu.memory_space<vmem>>
        %get3A_227 = arith.index_cast %add3A_222 : i32 to index
        %get3A_228 = arith.constant 16 : index
        %get3A_229 = tpu.vector_load %get3A_226[%get3A_227, %get3A_228] {strides = array<i32>} : memref<128x32xf32, #tpu.memory_space<vmem>>, vector<16xf32>,
        %scatter3A_230 = arith.constant 0 : i32
        %scatter3A_231 = arith.constant 0 : i32
        %scatter3A_232 = tpu.memref_slice %arg8[%rem3A_120, %scatter3A_230, %scatter3A_231] : memref<2x32x136xf32, #tpu.memory_space<vmem>> -> memref<1x32x136xf32, #tpu.memory_space<vmem>>
        %scatter3A_233 = tpu.memref_squeeze %scatter3A_232 : memref<1x32x136xf32, #tpu.memory_space<vmem>> -> memref<32x136xf32, #tpu.memory_space<vmem>>
        tpu.vector_store_idx %scatter3A_233[%add3A_151, %broadcast_in_dim3A_207], %get3A_229 : memref<32x136xf32, #tpu.memory_space<vmem>>[vector<16xi32>, vector<16xi32>], vector<16xf32>,
        %add3A_234 = arith.constant 2 : i32
        %add3A_235 = arith.addi %mul3A_177, %add3A_234 : i32
        %broadcast_in_dim3A_236 = vector.broadcast %add3A_235 : i32 to vector<16xi32>
        %add3A_237 = arith.constant 2 : i32
        %add3A_238 = arith.addi %mul3A_177, %add3A_237 : i32
        %get3A_239 = arith.constant 0 : i32
        %get3A_240 = arith.constant 0 : i32
        %get3A_241 = tpu.memref_slice %arg7[%rem3A_120, %get3A_239, %get3A_240] : memref<2x128x32xf32, #tpu.memory_space<vmem>> -> memref<1x128x32xf32, #tpu.memory_space<vmem>>
        %get3A_242 = tpu.memref_squeeze %get3A_241 : memref<1x128x32xf32, #tpu.memory_space<vmem>> -> memref<128x32xf32, #tpu.memory_space<vmem>>
        %get3A_243 = arith.index_cast %add3A_238 : i32 to index
        %get3A_244 = arith.constant 0 : index
        %get3A_245 = tpu.vector_load %get3A_242[%get3A_243, %get3A_244] {strides = array<i32>} : memref<128x32xf32, #tpu.memory_space<vmem>>, vector<16xf32>,
        %scatter3A_246 = arith.constant 0 : i32
        %scatter3A_247 = arith.constant 0 : i32
        %scatter3A_248 = tpu.memref_slice %arg8[%rem3A_120, %scatter3A_246, %scatter3A_247] : memref<2x32x136xf32, #tpu.memory_space<vmem>> -> memref<1x32x136xf32, #tpu.memory_space<vmem>>
        %scatter3A_249 = tpu.memref_squeeze %scatter3A_248 : memref<1x32x136xf32, #tpu.memory_space<vmem>> -> memref<32x136xf32, #tpu.memory_space<vmem>>
        tpu.vector_store_idx %scatter3A_249[%iota3A_148, %broadcast_in_dim3A_236], %get3A_245 : memref<32x136xf32, #tpu.memory_space<vmem>>[vector<16xi32>, vector<16xi32>], vector<16xf32>,
        %add3A_250 = arith.constant 2 : i32
        %add3A_251 = arith.addi %mul3A_177, %add3A_250 : i32
        %get3A_252 = arith.constant 0 : i32
        %get3A_253 = arith.constant 0 : i32
        %get3A_254 = tpu.memref_slice %arg7[%rem3A_120, %get3A_252, %get3A_253] : memref<2x128x32xf32, #tpu.memory_space<vmem>> -> memref<1x128x32xf32, #tpu.memory_space<vmem>>
        %get3A_255 = tpu.memref_squeeze %get3A_254 : memref<1x128x32xf32, #tpu.memory_space<vmem>> -> memref<128x32xf32, #tpu.memory_space<vmem>>
        %get3A_256 = arith.index_cast %add3A_251 : i32 to index
        %get3A_257 = arith.constant 16 : index
        %get3A_258 = tpu.vector_load %get3A_255[%get3A_256, %get3A_257] {strides = array<i32>} : memref<128x32xf32, #tpu.memory_space<vmem>>, vector<16xf32>,
        %scatter3A_259 = arith.constant 0 : i32
        %scatter3A_260 = arith.constant 0 : i32
        %scatter3A_261 = tpu.memref_slice %arg8[%rem3A_120, %scatter3A_259, %scatter3A_260] : memref<2x32x136xf32, #tpu.memory_space<vmem>> -> memref<1x32x136xf32, #tpu.memory_space<vmem>>
        %scatter3A_262 = tpu.memref_squeeze %scatter3A_261 : memref<1x32x136xf32, #tpu.memory_space<vmem>> -> memref<32x136xf32, #tpu.memory_space<vmem>>
        tpu.vector_store_idx %scatter3A_262[%add3A_151, %broadcast_in_dim3A_236], %get3A_258 : memref<32x136xf32, #tpu.memory_space<vmem>>[vector<16xi32>, vector<16xi32>], vector<16xf32>,
        %add3A_263 = arith.constant 3 : i32
        %add3A_264 = arith.addi %mul3A_177, %add3A_263 : i32
        %broadcast_in_dim3A_265 = vector.broadcast %add3A_264 : i32 to vector<16xi32>
        %add3A_266 = arith.constant 3 : i32
        %add3A_267 = arith.addi %mul3A_177, %add3A_266 : i32
        %get3A_268 = arith.constant 0 : i32
        %get3A_269 = arith.constant 0 : i32
        %get3A_270 = tpu.memref_slice %arg7[%rem3A_120, %get3A_268, %get3A_269] : memref<2x128x32xf32, #tpu.memory_space<vmem>> -> memref<1x128x32xf32, #tpu.memory_space<vmem>>
        %get3A_271 = tpu.memref_squeeze %get3A_270 : memref<1x128x32xf32, #tpu.memory_space<vmem>> -> memref<128x32xf32, #tpu.memory_space<vmem>>
        %get3A_272 = arith.index_cast %add3A_267 : i32 to index
        %get3A_273 = arith.constant 0 : index
        %get3A_274 = tpu.vector_load %get3A_271[%get3A_272, %get3A_273] {strides = array<i32>} : memref<128x32xf32, #tpu.memory_space<vmem>>, vector<16xf32>,
        %scatter3A_275 = arith.constant 0 : i32
        %scatter3A_276 = arith.constant 0 : i32
        %scatter3A_277 = tpu.memref_slice %arg8[%rem3A_120, %scatter3A_275, %scatter3A_276] : memref<2x32x136xf32, #tpu.memory_space<vmem>> -> memref<1x32x136xf32, #tpu.memory_space<vmem>>
        %scatter3A_278 = tpu.memref_squeeze %scatter3A_277 : memref<1x32x136xf32, #tpu.memory_space<vmem>> -> memref<32x136xf32, #tpu.memory_space<vmem>>
        tpu.vector_store_idx %scatter3A_278[%iota3A_148, %broadcast_in_dim3A_265], %get3A_274 : memref<32x136xf32, #tpu.memory_space<vmem>>[vector<16xi32>, vector<16xi32>], vector<16xf32>,
        %add3A_279 = arith.constant 3 : i32
        %add3A_280 = arith.addi %mul3A_177, %add3A_279 : i32
        %get3A_281 = arith.constant 0 : i32
        %get3A_282 = arith.constant 0 : i32
        %get3A_283 = tpu.memref_slice %arg7[%rem3A_120, %get3A_281, %get3A_282] : memref<2x128x32xf32, #tpu.memory_space<vmem>> -> memref<1x128x32xf32, #tpu.memory_space<vmem>>
        %get3A_284 = tpu.memref_squeeze %get3A_283 : memref<1x128x32xf32, #tpu.memory_space<vmem>> -> memref<128x32xf32, #tpu.memory_space<vmem>>
        %get3A_285 = arith.index_cast %add3A_280 : i32 to index
        %get3A_286 = arith.constant 16 : index
        %get3A_287 = tpu.vector_load %get3A_284[%get3A_285, %get3A_286] {strides = array<i32>} : memref<128x32xf32, #tpu.memory_space<vmem>>, vector<16xf32>,
        %scatter3A_288 = arith.constant 0 : i32
        %scatter3A_289 = arith.constant 0 : i32
        %scatter3A_290 = tpu.memref_slice %arg8[%rem3A_120, %scatter3A_288, %scatter3A_289] : memref<2x32x136xf32, #tpu.memory_space<vmem>> -> memref<1x32x136xf32, #tpu.memory_space<vmem>>
        %scatter3A_291 = tpu.memref_squeeze %scatter3A_290 : memref<1x32x136xf32, #tpu.memory_space<vmem>> -> memref<32x136xf32, #tpu.memory_space<vmem>>
        tpu.vector_store_idx %scatter3A_291[%add3A_151, %broadcast_in_dim3A_265], %get3A_287 : memref<32x136xf32, #tpu.memory_space<vmem>>[vector<16xi32>, vector<16xi32>], vector<16xf32>,
        %scan3A_292 = arith.constant 0 : i32
        scf.yield %scan3A_292 : i32
      }
      %scan3A_158 = arith.constant 32 : i32
      %dma_start3A_159 = arith.constant 0 : i32
      %dma_start3A_160 = arith.constant 0 : i32
      %dma_start3A_161 = tpu.memref_slice %arg8[%rem3A_120, %dma_start3A_159, %dma_start3A_160] : memref<2x32x136xf32, #tpu.memory_space<vmem>> -> memref<1x32x128xf32, #tpu.memory_space<vmem>>
      %dma_start3A_162 = tpu.memref_squeeze %dma_start3A_161 : memref<1x32x128xf32, #tpu.memory_space<vmem>> -> memref<32x128xf32, #tpu.memory_space<vmem>>
      %dma_start3A_163 = arith.constant 0 : i32
      %dma_start3A_164 = tpu.memref_slice %arg4[%scan3A_117, %dma_start3A_163, %mul3A_2] : memref<200x32x4096xf32, #tpu.memory_space<hbm>> -> memref<1x32x128xf32, #tpu.memory_space<hbm>>
      %dma_start3A_165 = tpu.memref_squeeze %dma_start3A_164 : memref<1x32x128xf32, #tpu.memory_space<hbm>> -> memref<32x128xf32, #tpu.memory_space<hbm>>
      %dma_start3A_166 = arith.constant 0 : i32
      %dma_start3A_167 = tpu.memref_slice %arg4[%scan3A_117, %dma_start3A_166, %mul3A_2] : memref<200x32x4096xf32, #tpu.memory_space<hbm>> -> memref<1x32x128xf32, #tpu.memory_space<hbm>>
      %dma_start3A_168 = tpu.memref_squeeze %dma_start3A_167 : memref<1x32x128xf32, #tpu.memory_space<hbm>> -> memref<32x128xf32, #tpu.memory_space<hbm>>
      %dma_start3A_169 = arith.constant 0 : i32
      %dma_start3A_170 = arith.constant 0 : i32
      %dma_start3A_171 = tpu.memref_slice %arg8[%rem3A_120, %dma_start3A_169, %dma_start3A_170] : memref<2x32x136xf32, #tpu.memory_space<vmem>> -> memref<1x32x128xf32, #tpu.memory_space<vmem>>
      %dma_start3A_172 = tpu.memref_squeeze %dma_start3A_171 : memref<1x32x128xf32, #tpu.memory_space<vmem>> -> memref<32x128xf32, #tpu.memory_space<vmem>>
      tpu.enqueue_dma source(%dma_start3A_172 : memref<32x128xf32, #tpu.memory_space<vmem>>) target(%dma_start3A_168 : memref<32x128xf32, #tpu.memory_space<hbm>>) target_semaphore(%arg10 : memref<!tpu.dma_semaphore, #tpu.memory_space<semaphore_mem>>)
      %scan3A_173 = arith.constant 0 : i32
      scf.yield %scan3A_173 : i32
    }
    %scan3A_85 = arith.constant 200 : i32
    %dma_wait3A = arith.constant 0 : i32
    %dma_wait3A_86 = arith.constant 198 : i32
    %dma_wait3A_87 = arith.constant 0 : i32
    %dma_wait3A_88 = arith.constant 0 : i32
    %dma_wait3A_89 = tpu.memref_slice %arg8[%dma_wait3A, %dma_wait3A_87, %dma_wait3A_88] : memref<2x32x136xf32, #tpu.memory_space<vmem>> -> memref<1x32x128xf32, #tpu.memory_space<vmem>>
    %dma_wait3A_90 = tpu.memref_squeeze %dma_wait3A_89 : memref<1x32x128xf32, #tpu.memory_space<vmem>> -> memref<32x128xf32, #tpu.memory_space<vmem>>
    %dma_wait3A_91 = arith.constant 0 : i32
    %dma_wait3A_92 = tpu.memref_slice %arg4[%dma_wait3A_86, %dma_wait3A_91, %mul3A_2] : memref<200x32x4096xf32, #tpu.memory_space<hbm>> -> memref<1x32x128xf32, #tpu.memory_space<hbm>>
    %dma_wait3A_93 = tpu.memref_squeeze %dma_wait3A_92 : memref<1x32x128xf32, #tpu.memory_space<hbm>> -> memref<32x128xf32, #tpu.memory_space<hbm>>
    %dma_wait3A_94 = arith.constant 0 : i32
    %dma_wait3A_95 = tpu.memref_slice %arg4[%dma_wait3A_86, %dma_wait3A_94, %mul3A_2] : memref<200x32x4096xf32, #tpu.memory_space<hbm>> -> memref<1x32x128xf32, #tpu.memory_space<hbm>>
    %dma_wait3A_96 = tpu.memref_squeeze %dma_wait3A_95 : memref<1x32x128xf32, #tpu.memory_space<hbm>> -> memref<32x128xf32, #tpu.memory_space<hbm>>
    %dma_wait3A_97 = arith.constant 0 : i32
    %dma_wait3A_98 = arith.constant 0 : i32
    %dma_wait3A_99 = tpu.memref_slice %arg8[%dma_wait3A, %dma_wait3A_97, %dma_wait3A_98] : memref<2x32x136xf32, #tpu.memory_space<vmem>> -> memref<1x32x128xf32, #tpu.memory_space<vmem>>
    %dma_wait3A_100 = tpu.memref_squeeze %dma_wait3A_99 : memref<1x32x128xf32, #tpu.memory_space<vmem>> -> memref<32x128xf32, #tpu.memory_space<vmem>>
    tpu.wait_dma2 semaphore(%arg10 : memref<!tpu.dma_semaphore, #tpu.memory_space<semaphore_mem>>) src(%dma_wait3A_100 : memref<32x128xf32, #tpu.memory_space<vmem>>) dst(%dma_wait3A_96 : memref<32x128xf32, #tpu.memory_space<hbm>>)
    %dma_wait3A_101 = arith.constant 1 : i32
    %dma_wait3A_102 = arith.constant 199 : i32
    %dma_wait3A_103 = arith.constant 0 : i32
    %dma_wait3A_104 = arith.constant 0 : i32
    %dma_wait3A_105 = tpu.memref_slice %arg8[%dma_wait3A_101, %dma_wait3A_103, %dma_wait3A_104] : memref<2x32x136xf32, #tpu.memory_space<vmem>> -> memref<1x32x128xf32, #tpu.memory_space<vmem>>
    %dma_wait3A_106 = tpu.memref_squeeze %dma_wait3A_105 : memref<1x32x128xf32, #tpu.memory_space<vmem>> -> memref<32x128xf32, #tpu.memory_space<vmem>>
    %dma_wait3A_107 = arith.constant 0 : i32
    %dma_wait3A_108 = tpu.memref_slice %arg4[%dma_wait3A_102, %dma_wait3A_107, %mul3A_2] : memref<200x32x4096xf32, #tpu.memory_space<hbm>> -> memref<1x32x128xf32, #tpu.memory_space<hbm>>
    %dma_wait3A_109 = tpu.memref_squeeze %dma_wait3A_108 : memref<1x32x128xf32, #tpu.memory_space<hbm>> -> memref<32x128xf32, #tpu.memory_space<hbm>>
    %dma_wait3A_110 = arith.constant 0 : i32
    %dma_wait3A_111 = tpu.memref_slice %arg4[%dma_wait3A_102, %dma_wait3A_110, %mul3A_2] : memref<200x32x4096xf32, #tpu.memory_space<hbm>> -> memref<1x32x128xf32, #tpu.memory_space<hbm>>
    %dma_wait3A_112 = tpu.memref_squeeze %dma_wait3A_111 : memref<1x32x128xf32, #tpu.memory_space<hbm>> -> memref<32x128xf32, #tpu.memory_space<hbm>>
    %dma_wait3A_113 = arith.constant 0 : i32
    %dma_wait3A_114 = arith.constant 0 : i32
    %dma_wait3A_115 = tpu.memref_slice %arg8[%dma_wait3A_101, %dma_wait3A_113, %dma_wait3A_114] : memref<2x32x136xf32, #tpu.memory_space<vmem>> -> memref<1x32x128xf32, #tpu.memory_space<vmem>>
    %dma_wait3A_116 = tpu.memref_squeeze %dma_wait3A_115 : memref<1x32x128xf32, #tpu.memory_space<vmem>> -> memref<32x128xf32, #tpu.memory_space<vmem>>
    tpu.wait_dma2 semaphore(%arg10 : memref<!tpu.dma_semaphore, #tpu.memory_space<semaphore_mem>>) src(%dma_wait3A_116 : memref<32x128xf32, #tpu.memory_space<vmem>>) dst(%dma_wait3A_112 : memref<32x128xf32, #tpu.memory_space<hbm>>)
    return
  }
}

</mosaic_0001>

<sc_bundles>
// kernel: kernel.3.cloned.1.call-start
scs
__scs_entry_jumppad:
0x0: {  	(pc) =	sbr.rel $0x88, $3  }
0x1: {  	(tag) =	ssettag $0x0;
	lr =	simm.s32 $0x1  }
0x2: {  	[smem:$0x3F9F] =	sst lr;
	_ =	strace $0xD0000000  }
0x3: {  	_ = 	snop  }
0x4: {  	_ = 	snop  }
0x5: {  	_ = 	snop  }
0x6: {  	_ = 	snop  }
0x7: {  	_ = 	snop  }
__scs_overlays_trampoline_lowered:
0x8: {  	[smem:$0x3FAE] =	sst s0  }
0x9: {  	[smem:$0x3FAF] =	sst s1  }
0xa: {  	[smem:$0x3FB0] =	sst s2  }
0xb: {  	[smem:$0x3FB1] =	sst s3  }
0xc: {  	[smem:$0x3FB2] =	sst s4  }
0xd: {  	[smem:$0x3FB3] =	sst s5  }
0xe: {  	[smem:$0x3FB4] =	sst s6  }
0xf: {  	[smem:$0x3FB5] =	sst s7  }
0x10: {  	[smem:$0x3FB6] =	sst s8  }
0x11: {  	[smem:$0x3FB7] =	sst s9;
	s0 =	simm.s32 @!p0 $0x0  }
0x12: {  	s1 =	sld [smem:$0x3F9D];
	s0 =	simm.s32 @p0 $0x1  }
0x13: {  	[smem:$0x3FB8] =	sst s0;
	s0 =	simm.s32 @!p1 $0x0  }
0x14: {  	s2 =	sld [smem:$0x3F9C];
	s0 =	simm.s32 @p1 $0x1  }
0x15: {  	[smem:$0x3FB9] =	sst s0;
	s0 =	simm.s32 @!p2 $0x0  }
0x16: {  	s3 =	sld [smem:$0x3FDB];
	s0 =	simm.s32 @p2 $0x1  }
0x17: {  	s4 =	simm.s32 $0x1BF5;
	[smem:$0x3FBB] =	sst s0  }
0x18: {  	s0 =	sld [smem:$0x3F9E];
	_ =	swait.ge [sflag:s4], $0x0  }
0x19: {  	s7 =	sld [smem:$0x3F9F]  }
0x1a: {  	s8 =	sadd.s32 $0xFFFFE003, lr  }
0x1b: {  	s9 =	sadd.s32 $0xFFFFFEF7, lr;
	s5 =	simm.s32 $0xFFFFFFFF;
	p2 =	slt.u32 s8, $0xFFFFF086  }
0x1c: {  	p1 =	slt.u32 s9, $0xF7A;
	s5 =	simm.s32 @!p2 $0x0  }
0x1d: {  	s5 =	simm.s32 @p1 $0x1;
	p0 =	seq.s32 s7, s2  }
0x1e: {  	s7 =	smul.u32 @!p0 $0xF7A, s2;
	p2 =	seq.s32 @!p0 s5, $0x0  }
0x1f: {  	s9 =	smul.u32 $0xF7A, s1;
	s8 =	simm.s32 @!p0 $0x1BF5;
	p2 =	por !p2, p0  }
0x20: {  	[sflag:s8] =	ssyncset.s32 @!p0 $0xFFFFF086;
	s6 =	sadd.s32 @!p0 s3, s7;
	s7 =	simm.s32 @!p0 $0x108  }
0x21: {  	s3 =	sadd.s32 s3, s9;
	s6 =	sadd.s32 @!p0 $0x88, s6;
	s7 =	simm.s32 @p2 $0x1082  }
0x22: {  	[simem:s7], [sflag:s8] =	dma.local @!p0 [hbm:s6], $0xF7A  }
0x23: {  	s9 =	sor.u32 $0xD0000000, s2;
	s6 =	simm.s32 $0x108;
	_ =	swait.ge @!p0 [sflag:s8], $0x0  }
0x24: {  	s3 =	sadd.s32 $0x88, s3;
	s6 =	simm.s32 @!p1 $0x1082;
	[sflag:s4] =	ssyncset.s32 $0xFFFFF086  }
0x25: {  	[simem:s6], [sflag:s4] =	dma.local [hbm:s3], $0xF7A  }
0x26: {  	[smem:$0x3F9F] =	sst s1;
	(tag) =	ssettag s2;
	_ =	strace s9  }
0x27: {  	s1 =	sld [smem:$0x3FAF]  }
0x28: {  	s2 =	sld [smem:$0x3FB0]  }
0x29: {  	s4 =	sld [smem:$0x3FB2]  }
0x2a: {  	p0 =	seq.s32 s5, $0x0;
	s5 =	sld [smem:$0x3FB3]  }
0x2b: {  	s6 =	sld [smem:$0x3FB4]  }
0x2c: {  	s7 =	sld [smem:$0x3FB5]  }
0x2d: {  	s3 =	simm.s32 $0x108;
	s8 =	sld [smem:$0x3FB6]  }
0x2e: {  	s3 =	simm.s32 @!p0 $0x1082;
	s9 =	sld [smem:$0x3FB7]  }
0x2f: {  	lr =	sadd.s32 s0, s3;
	s0 =	sld [smem:$0x3FAE]  }
0x30: {  	s3 =	sld [smem:$0x3FB1]  }
0x31: {  	[smem:$0x3FBA] =	sst s10  }
0x32: {  	s10 =	sld [smem:$0x3FB8];
	_ =	sdelay $0x3  }
0x33: {  	p0 =	seq.s32 s10, $0x1;
	s10 =	sld [smem:$0x3FBA];
	_ =	sdelay $0x3  }
0x34: {  	[smem:$0x3FBA] =	sst s10  }
0x35: {  	s10 =	sld [smem:$0x3FB9];
	_ =	sdelay $0x3  }
0x36: {  	p1 =	seq.s32 s10, $0x1;
	s10 =	sld [smem:$0x3FBA];
	_ =	sdelay $0x3  }
0x37: {  	[smem:$0x3FBA] =	sst s10  }
0x38: {  	s10 =	sld [smem:$0x3FBB]  }
0x39: {  	_ = 	snop;
	(pc) =	sbr.ind lr, $3  }
0x3a: {  	_ = 	snop  }
0x3b: {  	_ = 	snop  }
0x3c: {  	p2 =	seq.s32 s10, $0x1;
	s10 =	sld [smem:$0x3FBA]  }
0x3d: {  	_ =	shalt  }
0x3e: {  	_ =	shalt  }
0x3f: {  	_ =	shalt  }
0x40: {  	_ =	shalt  }
0x41: {  	_ =	shalt  }
0x42: {  	_ =	shalt  }
0x43: {  	_ =	shalt  }
0x44: {  	_ =	shalt  }
0x45: {  	_ =	shalt  }
0x46: {  	_ =	shalt  }
0x47: {  	_ =	shalt  }
0x48: {  	_ =	shalt  }
0x49: {  	_ =	shalt  }
0x4a: {  	_ =	shalt  }
0x4b: {  	_ =	shalt  }
0x4c: {  	_ =	shalt  }
0x4d: {  	_ =	shalt  }
0x4e: {  	_ =	shalt  }
0x4f: {  	_ =	shalt  }
0x50: {  	_ =	shalt  }
0x51: {  	_ =	shalt  }
0x52: {  	_ =	shalt  }
0x53: {  	_ =	shalt  }
0x54: {  	_ =	shalt  }
0x55: {  	_ =	shalt  }
0x56: {  	_ =	shalt  }
0x57: {  	_ =	shalt  }
0x58: {  	_ =	shalt  }
0x59: {  	_ =	shalt  }
0x5a: {  	_ =	shalt  }
0x5b: {  	_ =	shalt  }
0x5c: {  	_ =	shalt  }
0x5d: {  	_ =	shalt  }
0x5e: {  	_ =	shalt  }
0x5f: {  	_ =	shalt  }
0x60: {  	_ =	shalt  }
0x61: {  	_ =	shalt  }
0x62: {  	_ =	shalt  }
0x63: {  	_ =	shalt  }
0x64: {  	_ =	shalt  }
0x65: {  	_ =	shalt  }
0x66: {  	_ =	shalt  }
0x67: {  	_ =	shalt  }
0x68: {  	_ =	shalt  }
0x69: {  	_ =	shalt  }
0x6a: {  	_ =	shalt  }
0x6b: {  	_ =	shalt  }
0x6c: {  	_ =	shalt  }
0x6d: {  	_ =	shalt  }
0x6e: {  	_ =	shalt  }
0x6f: {  	_ =	shalt  }
0x70: {  	_ =	shalt  }
0x71: {  	_ =	shalt  }
0x72: {  	_ =	shalt  }
0x73: {  	_ =	shalt  }
0x74: {  	_ =	shalt  }
0x75: {  	_ =	shalt  }
0x76: {  	_ =	shalt  }
0x77: {  	_ =	shalt  }
0x78: {  	_ =	shalt  }
0x79: {  	_ =	shalt  }
0x7a: {  	_ =	shalt  }
0x7b: {  	_ =	shalt  }
0x7c: {  	_ =	shalt  }
0x7d: {  	_ =	shalt  }
0x7e: {  	_ =	shalt  }
0x7f: {  	_ =	shalt  }
0x80: {  	_ =	shalt  }
0x81: {  	_ =	shalt  }
0x82: {  	_ =	shalt  }
0x83: {  	_ =	shalt  }
0x84: {  	_ =	shalt  }
0x85: {  	_ =	shalt  }
0x86: {  	_ =	shalt  }
0x87: {  	_ =	shalt  }
.Lfunc_end0:
.L_simem_size_0:
called_computation_lowered:
.L_overlay_start_0:
0x88: {  	s2 =	sld [smem:$0x3FD9]  }
0x89: {  	s3 =	sld [smem:$0x3FFE];
	_ =	sdelay $0x1  }
0x8a: {  	s1 =	srdreg.scid  }
0x8b: {  	s0 =	sand.u32 $0x1, s1  }
0x8c: {  	s17 =	sshll.u32 s0, $0xA;
	s2 =	sadd.s32 s3, s2  }
0x8d: {  	s2 =	sadd.s32 s2, s17  }
0x8e: {  	[smem:$0x3FC6] =	sst s2  }
0x8f: {  	_ = 	snop  }
0x90: {  	s2 =	sld [smem:$0x3FD0];
	(tm) =	ssettm $0x1  }
0x91: {  	s18 =	sld [smem:$0x3FFB];
	_ =	sdelay $0x3  }
0x92: {  	_ =	strace s18  }
0x93: {  	s3 =	sld [smem:$0x3FFC];
	_ =	sdelay $0x3  }
0x94: {  	_ =	strace s3  }
0x95: {  	s3 =	sld [smem:$0x3FFD];
	_ =	sdelay $0x3  }
0x96: {  	_ =	strace s3  }
0x97: {  	_ =	strace $0x8FFFFFFF  }
0x98: {  	s19 =	sld [smem:$0x3FDB];
	_ =	sdelay $0x1  }
0x99: {  	s4 =	simm.s32 $_scs_section_size  }
0x9a: {  	s5 =	simm.s32 $_size__tile_overlayer_lowered;
	s6 =	simm.s32 $_tile_overlayer_lowered  }
0x9b: {  	s22 =	simm.s32 $0x1BFF;
	s21 =	sshll.u32 s6, $0x1;
	s3 =	sadd.s32 s4, s19  }
0x9c: {  	s7 =	simm.s32 $0x0;
	s20 =	sshll.u32 s5, $0x1;
	s5 =	sadd.s32 s21, s3  }
0x9d: {  	[timem:s7], [sflag:s22] =	dma.local [hbm:s5], s20  }
0x9e: {  	_ =	swait.ge [sflag:s22], s20  }
0x9f: {  	s4 =	ssub.s32 $0x0, s20;
	[sflag:s22] =	ssyncset.done $0x0  }
0xa0: {  	[sflag:s22] =	ssyncadd.s32 s4;
	_ =	sdelay $0x1  }
0xa1: {  	s23 =	simm.s32 $0x1B8B  }
0xa2: {  	_ =	swait.ge [sflag:s23], $0x1  }
0xa3: {  	[sflag:s23] =	ssyncset.done $0x0  }
0xa4: {  	s25 =	simm.s32 $0x1B8E;
	s24 =	sld [smem:$0x3FFE];
	[sflag:s23] =	ssyncadd.s32 $0xFFFFFFFF  }
0xa5: {  	s26 =	simm.s32 $execute0_lowered;
	[smem:$0x3FD2] =	sst s25  }
0xa6: {  	s5 =	sshll.u32 s26, $0x1;
	_ =	strace $0x80000046;
	[dreg:$0x1] =	wrdreg $0xFFFFFFFF  }
0xa7: {  	s28 =	simm.s32 $_size_execute0_lowered;
	s3 =	sadd.s32 s3, s5;
	[dreg:$0x0] =	wrdreg $0x0  }
0xa8: {  	s5 =	sshll.u32 s28, $0x1;
	[dreg:$0x2] =	wrdreg s3  }
0xa9: {  	[dreg:$0x3] =	wrdreg s5  }
0xaa: {  	[dreg:$0x4] =	wrdreg $0xC0  }
0xab: {  	_ =	task [dreg:s7], $0x5FFFF  }
0xac: {  	[dreg:$0x1] =	wrdreg $0xFFFFFFFF  }
0xad: {  	[dreg:$0x0] =	wrdreg $0x60  }
0xae: {  	[dreg:$0x2] =	wrdreg s2  }
0xaf: {  	[dreg:$0x3] =	wrdreg s24  }
0xb0: {  	[dreg:$0x4] =	wrdreg $0x9  }
0xb1: {  	_ =	task.clear_ibuf [dreg:s7], $0x5FFFF;
	_ =	strace $0x90000046  }
0xb2: {  	s29 =	simm.s32 $0x9;
	_ =	strace $0x80000048  }
0xb3: {  	_ =	swait.ge [sflag:s29], $0x1  }
0xb4: {  	[sflag:s29] =	ssyncadd.s32 $0xFFFFFFFF  }
0xb5: {  	_ =	strace $0x90000048  }
0xb6: {  	_ =	sfence  }
0xb7: {  	s30 =	sld [smem:$0x0];
	_ =	sdelay $0x2  }
0xb8: {  	s31 =	sshll.u32 s1, $0xD;
	s1 =	sshrl.u32 s1, $0x2  }
0xb9: {  	s3 =	sand.u32 $0x4000, s31;
	s1 =	sadd.s32 s1, s30  }
0xba: {  	s0 =	sor.u32 s3, s0;
	s1 =	sshll.u32 s1, $0x11  }
0xbb: {  	s0 =	sor.u32 s1, s0  }
0xbc: {  	s0 =	sadd.s32 $0x8F2B, s0  }
0xbd: {  	[sflag:s0] =	ssyncadd.remote.s32 $0x1  }
0xbe: {  	_ =	sfence.sel $0xFFFF  }
0xbf: {  	[dreg:$0x0] =	wrdreg $0xFFFFFFFF;
	(pc) =	sbr.abs _section_cstart, $3  }
0xc0: {  	[dreg:$0x1] =	wrdreg $0xFFFFFFFF  }
0xc1: {  	_ =	task.clear_ibuf [dreg:s7], $0x2FFFF;
	_ =	strace $0x9FFFFFFF  }
0xc2: {  	(tm) =	ssettm $0x7FFFFFFF  }
0xc3: {  	_ =	shalt  }
tec
execute0_lowered:
.L_overlay_start_1:
0x0: {  	(tag) =	ssettag $0x1  }
0x1: {  	s6 =	rddreg [dreg:$0x0]  }
0x2: {  	s5 =	rddreg [dreg:$0x1];
	s2 =	srdreg.scid  }
0x3: {  	s0 =	rddreg [dreg:$0x2];
	s1 =	stileid.u32;
	s10 =	simm.s32 $0x6800  }
0x4: {  	s11 =	simm.s32 $0x6900;
	s12 =	simm.s32 $0x1;
	s13 =	simm.s32 $0x2  }
0x5: {  	v3 =	vlaneseq.u32;
	s14 =	simm.s32 $0x0;
	s3 =	sand.u32 $0x1, s2;
	s2 =	simm.s32 $0x0  }
0x6: {  	s4 =	sshll.u32 s1, $0x8;
	v0 =	vmul.u32 $0xD0, v3;
	s7 =	sshll.u32 s3, $0x7;
	[smem:$0x7FF] =	sst s2  }
0x7: {  	s8 =	ssub.s32 $0x2, s3;
	s3 =	sor.u32 s7, s4;
	_ =	strace $0x80000047  }
0x8: {  	v3 =	vmul.u32 $0x88, v3;
	s31 =	sshrl.u32 s8, $0x1;
	s4 =	sadd.s32 $0xF42A00, s5;
	v1 =	vadd.s32 $0xD00, v0;
	v2 =	vadd.s32 $0x1A00, v0;
	s9 =	smul.u32 $0x19, s3  }
0x9: {  	s5 =	sadd.s32 $0x600, s5;
	v4 =	vadd.s32 $0x2700, v0;
	v5 =	vadd.s32 $0x3400, v0;
	v6 =	vadd.s32 $0x4100, v0;
	s7 =	ssub.s32 s8, s31;
	s8 =	simm.s32 $0x3  }
0xa: {  	v7 =	vadd.s32 $0x4E00, v0;
	v8 =	vadd.s32 $0x5B00, v0;
	v9 =	vadd.s32 $0x880, v3;
	s7 =	smax.u32 s7, $0x1;
	s6 =	sadd.s32 s6, s9;
	s9 =	simm.s32 $0x80  }
.LBB2_1:
0xb: {  	s15 =	simm.s32 $0x19  }
0xc: {  	s18 =	sadd.s32 $0x0, s6;
	s16 =	simm.s32 $0xD0;
	s17 =	simm.s32 $0x0  }
.LBB2_2:
0xd: {  	[tilespmem:s17], [sflag:$0x3] =	stream.linear.gather [hbm4b:s18+s2], $0xC8, $0x38;
	[tilespmem:$0xAB00] =	vst v63  }
0xe: {  	s18 =	smov.u32 s15;
	s17 =	smov.u32 s16;
	p0 =	sne.s32 s15, $0xC67  }
.Ltmp0:
0xf: {  	s15 =	sadd.s32 $0x19, s15;
	(pc) =	sbr.rel @p0 .LBB2_2-.Ltmp0, $2  }
0x10: {  	_ =	sdelay $0x2  }
0x11: {  	s16 =	sadd.s32 $0xD0, s16;
	s18 =	sadd.s32 s18, s6  }
0x12: {  	[tilespmem:s17], [sflag:$0x3] =	stream.linear.gather [hbm4b:s18+s2], $0xC8, $0x38;
	[tilespmem:$0xAB00] =	vst v63  }
0x13: {  	_ =	swait.ge [sflag:s8], $0x6400  }
0x14: {  	[sflag:s8] =	ssyncset.done $0x0  }
0x15: {  	s16 =	simm.s32 $0x0;
	[sflag:s8] =	ssyncadd.s32 $0xFFFF9C00  }
0x16: {  	v10 =	vld.idx.msk [tilespmem:v0+s16+$0x0], $0xffff;
	_ =	sdelay $0x4  }
0x17: {  	[tilespmem:$0x6800] =	vst v10  }
0x18: {  	v10 =	vld.idx.msk [tilespmem:v1+s16+$0x0], $0xffff;
	_ =	sdelay $0x4  }
0x19: {  	[tilespmem:$0x6810] =	vst v10  }
0x1a: {  	v10 =	vld.idx.msk [tilespmem:v2+s16+$0x0], $0xffff;
	_ =	sdelay $0x4  }
0x1b: {  	[tilespmem:$0x6820] =	vst v10  }
0x1c: {  	v10 =	vld.idx.msk [tilespmem:v4+s16+$0x0], $0xffff;
	_ =	sdelay $0x4  }
0x1d: {  	[tilespmem:$0x6830] =	vst v10  }
0x1e: {  	v10 =	vld.idx.msk [tilespmem:v5+s16+$0x0], $0xffff;
	_ =	sdelay $0x4  }
0x1f: {  	[tilespmem:$0x6840] =	vst v10  }
0x20: {  	v10 =	vld.idx.msk [tilespmem:v6+s16+$0x0], $0xffff;
	_ =	sdelay $0x4  }
0x21: {  	[tilespmem:$0x6850] =	vst v10  }
0x22: {  	v10 =	vld.idx.msk [tilespmem:v7+s16+$0x0], $0xffff;
	_ =	sdelay $0x4  }
0x23: {  	[tilespmem:$0x6860] =	vst v10  }
0x24: {  	v10 =	vld.idx.msk [tilespmem:v8+s16+$0x0], $0xffff;
	_ =	sdelay $0x4  }
0x25: {  	p0 =	por $0x0, $0x0;
	[tilespmem:$0x6870] =	vst v10  }
0x26: {  	[tilespmem:s11], [sflag:$0x1] =	stream.indirect.gather [hbm4b:s4+s9], $0x20, s10, s9, $0xb8;
	[tilespmem:$0xAB00] =	vst v63  }
.LBB2_5:
0x27: {  	p1 =	sne.s32 s16, $0xC7  }
.Ltmp1:
0x28: {  	_ = 	snop;
	(pc) =	sbr.rel @p1 .LBB2_7-.Ltmp1, $2  }
0x29: {  	_ =	sdelay $0x2  }
0x2a: {  	s17 =	sand.u32 $0x1, s16;
	s15 =	sadd.s32 $0x1, s16  }
.Ltmp2:
0x2b: {  	(pc) =	sbr.rel .LBB2_8-.Ltmp2, $4  }
0x2c: {  	_ = 	snop  }
0x2d: {  	_ =	swait.ge [sflag:s12], $0x1000  }
0x2e: {  	[sflag:s12] =	ssyncset.done $0x0  }
0x2f: {  	[sflag:s12] =	ssyncadd.s32 $0xFFFFF000  }
.LBB2_7:
0x30: {  	v10 =	vmov s15  }
0x31: {  	v10 =	vand.u32 $0x1FF, v10  }
0x32: {  	v11 =	vadd.s32 v0, v10;
	_ =	sdelay $0x4  }
0x33: {  	v11 =	vld.idx.msk [tilespmem:v11+s2+$0x0], $0xffff  }
0x34: {  	v12 =	vadd.s32 v1, v10;
	_ =	sdelay $0x1  }
0x35: {  	s18 =	sshll.u32 s15, $0x7  }
0x36: {  	s18 =	sand.u32 $0x80, s18  }
0x37: {  	[tilespmem:s18+$0x6800] =	vst v11  }
0x38: {  	v11 =	vld.idx.msk [tilespmem:v12+s2+$0x0], $0xffff  }
0x39: {  	v59 =	vadd.s32 v2, v10;
	_ =	sdelay $0x3  }
0x3a: {  	[tilespmem:s18+$0x6810] =	vst v11  }
0x3b: {  	v11 =	vld.idx.msk [tilespmem:v59+s2+$0x0], $0xffff  }
0x3c: {  	v60 =	vadd.s32 v4, v10;
	_ =	sdelay $0x3  }
0x3d: {  	[tilespmem:s18+$0x6820] =	vst v11  }
0x3e: {  	v11 =	vld.idx.msk [tilespmem:v60+s2+$0x0], $0xffff  }
0x3f: {  	v61 =	vadd.s32 v5, v10;
	_ =	sdelay $0x3  }
0x40: {  	[tilespmem:s18+$0x6830] =	vst v11  }
0x41: {  	v11 =	vld.idx.msk [tilespmem:v61+s2+$0x0], $0xffff  }
0x42: {  	v62 =	vadd.s32 v6, v10;
	_ =	sdelay $0x3  }
0x43: {  	[tilespmem:s18+$0x6840] =	vst v11  }
0x44: {  	v11 =	vld.idx.msk [tilespmem:v62+s2+$0x0], $0xffff  }
0x45: {  	v63 =	vadd.s32 v7, v10;
	_ =	sdelay $0x3  }
0x46: {  	[tilespmem:s18+$0x6850] =	vst v11  }
0x47: {  	v11 =	vld.idx.msk [tilespmem:v63+s2+$0x0], $0xffff  }
0x48: {  	v10 =	vadd.s32 v8, v10;
	_ =	sdelay $0x3  }
0x49: {  	[tilespmem:s18+$0x6860] =	vst v11  }
0x4a: {  	v10 =	vld.idx.msk [tilespmem:v10+s2+$0x0], $0xffff;
	_ =	sdelay $0x3  }
0x4b: {  	p1 =	slt.u32 s16, $0x2  }
.Ltmp3:
0x4c: {  	[tilespmem:s18+$0x6870] =	vst v10;
	(pc) =	sbr.rel @p1 .LBB2_9-.Ltmp3, $4  }
0x4d: {  	_ =	swait.ge [sflag:s12], $0x1000  }
0x4e: {  	s19 =	sshll.u32 s17, $0xC;
	[sflag:s12] =	ssyncset.done $0x0  }
0x4f: {  	s19 =	sxor.u32 $0x7900, s19;
	s18 =	sor.u32 $0x6800, s18;
	[sflag:s12] =	ssyncadd.s32 $0xFFFFF000  }
0x50: {  	[tilespmem:s19], [sflag:$0x1] =	stream.indirect.gather [hbm4b:s4+s9], $0x20, s18, s9, $0xb8;
	[tilespmem:$0xAB00] =	vst v63  }
.LBB2_8:
0x51: {  	_ =	swait.ge [sflag:s13], $0x1000  }
0x52: {  	[sflag:s13] =	ssyncset.done $0x0  }
0x53: {  	[sflag:s13] =	ssyncadd.s32 $0xFFFFF000  }
.LBB2_9:
0x54: {  	s18 =	simm.s32 $0x1  }
0x55: {  	s19 =	simm.s32 $0x0;
	s18 =	simm.s32 @!p0 $0x0  }
0x56: {  	v10 =	vmov s19;
	s20 =	sshll.u32 s18, $0xC  }
0x57: {  	v10 =	vand.u32 $0x7C, v10;
	s19 =	sor.u32 $0x6940, s20  }
0x58: {  	v12 =	vadd.s32 v3, v10;
	v11 =	vld [tilespmem:s19+$0xFFFFFFC0]  }
0x59: {  	s17 =	smul.u32 $0x4400, s17;
	_ =	sdelay $0x1  }
0x5a: {  	s17 =	sshrl.u32 s17, $0x2  }
0x5b: {  	s17 =	sadd.s32 $0x8900, s17  }
0x5c: {  	[tilespmem:v12+s17+$0x0] =	vst.idx.msk $0xffff, v11  }
0x5d: {  	v10 =	vadd.s32 v9, v10;
	v11 =	vld [tilespmem:s19+$0xFFFFFFD0];
	_ =	sdelay $0x2  }
0x5e: {  	s29 =	simm.s32 $0x1  }
0x5f: {  	v12 =	vmov s29  }
0x60: {  	[tilespmem:v10+s17+$0x0] =	vst.idx.msk $0xffff, v11;
	v10 =	vand.u32 $0x7D, v12  }
0x61: {  	v11 =	vld [tilespmem:s19+$0xFFFFFFE0];
	v12 =	vadd.s32 v3, v10;
	_ =	sdelay $0x4  }
0x62: {  	[tilespmem:v12+s17+$0x0] =	vst.idx.msk $0xffff, v11  }
0x63: {  	v10 =	vadd.s32 v9, v10;
	v11 =	vld [tilespmem:s19+$0xFFFFFFF0];
	_ =	sdelay $0x2  }
0x64: {  	s30 =	simm.s32 $0x2  }
0x65: {  	v12 =	vmov s30  }
0x66: {  	[tilespmem:v10+s17+$0x0] =	vst.idx.msk $0xffff, v11;
	v10 =	vand.u32 $0x7E, v12  }
0x67: {  	v11 =	vld [tilespmem:s19+$0x0];
	v12 =	vadd.s32 v3, v10;
	_ =	sdelay $0x4  }
0x68: {  	[tilespmem:v12+s17+$0x0] =	vst.idx.msk $0xffff, v11  }
0x69: {  	v10 =	vadd.s32 v9, v10;
	v11 =	vld [tilespmem:s19+$0x10];
	_ =	sdelay $0x2  }
0x6a: {  	s31 =	simm.s32 $0x3  }
0x6b: {  	v12 =	vmov s31  }
0x6c: {  	[tilespmem:v10+s17+$0x0] =	vst.idx.msk $0xffff, v11;
	v11 =	vand.u32 $0x7F, v12  }
0x6d: {  	v10 =	vld [tilespmem:s19+$0x20];
	v12 =	vadd.s32 v3, v11;
	_ =	sdelay $0x4  }
0x6e: {  	[tilespmem:v12+s17+$0x0] =	vst.idx.msk $0xffff, v10  }
0x6f: {  	v11 =	vadd.s32 v9, v11;
	v10 =	vld [tilespmem:s19+$0x30]  }
0x70: {  	s18 =	smul.u32 $0x4400, s18;
	_ =	sdelay $0x1  }
0x71: {  	s20 =	simm.s32 $0x4;
	s18 =	sshrl.u32 s18, $0x2  }
0x72: {  	s21 =	simm.s32 $0x8;
	s18 =	sadd.s32 $0x8900, s18;
	v12 =	vmov s20  }
.LBB2_10:
0x73: {  	p1 =	sne.s32 s21, $0x7C;
	v12 =	vand.u32 $0x7C, v12;
	[tilespmem:v11+s17+$0x0] =	vst.idx.msk $0xffff, v10;
	s19 =	sadd.s32 $0x80, s19  }
0x74: {  	v10 =	vld [tilespmem:s19+$0xFFFFFFC0];
	v11 =	vadd.s32 v3, v12;
	_ =	sdelay $0x4  }
0x75: {  	[tilespmem:v11+s17+$0x0] =	vst.idx.msk $0xffff, v10  }
0x76: {  	v11 =	vadd.s32 v9, v12;
	v10 =	vld [tilespmem:s19+$0xFFFFFFD0];
	_ =	sdelay $0x2  }
0x77: {  	s22 =	sadd.s32 $0x1, s20  }
0x78: {  	v12 =	vmov s22  }
0x79: {  	[tilespmem:v11+s17+$0x0] =	vst.idx.msk $0xffff, v10;
	v10 =	vand.u32 $0x7D, v12  }
0x7a: {  	v11 =	vld [tilespmem:s19+$0xFFFFFFE0];
	v12 =	vadd.s32 v3, v10;
	_ =	sdelay $0x4  }
0x7b: {  	[tilespmem:v12+s17+$0x0] =	vst.idx.msk $0xffff, v11  }
0x7c: {  	v10 =	vadd.s32 v9, v10;
	v11 =	vld [tilespmem:s19+$0xFFFFFFF0];
	_ =	sdelay $0x2  }
0x7d: {  	s22 =	sadd.s32 $0x2, s20  }
0x7e: {  	v12 =	vmov s22  }
0x7f: {  	[tilespmem:v10+s17+$0x0] =	vst.idx.msk $0xffff, v11;
	v10 =	vand.u32 $0x7E, v12  }
0x80: {  	v11 =	vld [tilespmem:s19+$0x0];
	v12 =	vadd.s32 v3, v10;
	_ =	sdelay $0x4  }
0x81: {  	[tilespmem:v12+s17+$0x0] =	vst.idx.msk $0xffff, v11  }
0x82: {  	v10 =	vadd.s32 v9, v10;
	v11 =	vld [tilespmem:s19+$0x10];
	_ =	sdelay $0x2  }
0x83: {  	s22 =	sadd.s32 $0x3, s20;
	s20 =	smov.u32 s21  }
0x84: {  	v12 =	vmov s22  }
0x85: {  	[tilespmem:v10+s17+$0x0] =	vst.idx.msk $0xffff, v11;
	v11 =	vand.u32 $0x7F, v12  }
0x86: {  	v10 =	vld [tilespmem:s19+$0x20];
	v12 =	vadd.s32 v3, v11;
	_ =	sdelay $0x4  }
0x87: {  	[tilespmem:v12+s17+$0x0] =	vst.idx.msk $0xffff, v10  }
.Ltmp4:
0x88: {  	v11 =	vadd.s32 v9, v11;
	v10 =	vld [tilespmem:s19+$0x30];
	(pc) =	sbr.rel @p1 .LBB2_10-.Ltmp4, $2  }
0x89: {  	_ =	sdelay $0x2  }
0x8a: {  	s21 =	sadd.s32 $0x4, s21;
	v12 =	vmov s20  }
0x8b: {  	_ =	sdelay $0x3  }
0x8c: {  	v12 =	vand.u32 $0x7C, v12;
	[tilespmem:v11+s17+$0x0] =	vst.idx.msk $0xffff, v10;
	s19 =	sadd.s32 $0x80, s19  }
0x8d: {  	v10 =	vld [tilespmem:s19+$0xFFFFFFC0];
	v11 =	vadd.s32 v3, v12;
	_ =	sdelay $0x4  }
0x8e: {  	[tilespmem:v11+s17+$0x0] =	vst.idx.msk $0xffff, v10  }
0x8f: {  	v11 =	vadd.s32 v9, v12;
	v10 =	vld [tilespmem:s19+$0xFFFFFFD0];
	_ =	sdelay $0x2  }
0x90: {  	s21 =	sadd.s32 $0x1, s20  }
0x91: {  	v61 =	vmov s21  }
0x92: {  	[tilespmem:v11+s17+$0x0] =	vst.idx.msk $0xffff, v10;
	v10 =	vand.u32 $0x7D, v61  }
0x93: {  	v11 =	vld [tilespmem:s19+$0xFFFFFFE0];
	v12 =	vadd.s32 v3, v10;
	_ =	sdelay $0x4  }
0x94: {  	[tilespmem:v12+s17+$0x0] =	vst.idx.msk $0xffff, v11  }
0x95: {  	v10 =	vadd.s32 v9, v10;
	v11 =	vld [tilespmem:s19+$0xFFFFFFF0];
	_ =	sdelay $0x2  }
0x96: {  	s30 =	sadd.s32 $0x2, s20  }
0x97: {  	v62 =	vmov s30  }
0x98: {  	[tilespmem:v10+s17+$0x0] =	vst.idx.msk $0xffff, v11;
	v10 =	vand.u32 $0x7E, v62  }
0x99: {  	v11 =	vld [tilespmem:s19+$0x0];
	v12 =	vadd.s32 v3, v10;
	_ =	sdelay $0x4  }
0x9a: {  	[tilespmem:v12+s17+$0x0] =	vst.idx.msk $0xffff, v11  }
0x9b: {  	v10 =	vadd.s32 v9, v10;
	v11 =	vld [tilespmem:s19+$0x10];
	_ =	sdelay $0x2  }
0x9c: {  	s31 =	sadd.s32 $0x3, s20  }
0x9d: {  	v63 =	vmov s31  }
0x9e: {  	[tilespmem:v10+s17+$0x0] =	vst.idx.msk $0xffff, v11;
	v10 =	vand.u32 $0x7F, v63  }
0x9f: {  	v11 =	vld [tilespmem:s19+$0x20];
	v12 =	vadd.s32 v3, v10;
	_ =	sdelay $0x4  }
0xa0: {  	[tilespmem:v12+s17+$0x0] =	vst.idx.msk $0xffff, v11  }
0xa1: {  	v10 =	vadd.s32 v9, v10;
	v11 =	vld [tilespmem:s19+$0x30]  }
0xa2: {  	s16 =	sshll.u32 s16, $0x11  }
0xa3: {  	s16 =	sor.u32 s3, s16  }
0xa4: {  	s16 =	sshrl.u32 s16, $0x3  }
0xa5: {  	s16 =	sadd.s32 s5, s16  }
0xa6: {  	s20 =	sadd.s32 $0x0, s16;
	s19 =	sadd.s32 $0x88, s18;
	[tilespmem:v10+s17+$0x0] =	vst.idx.msk $0xffff, v11;
	s17 =	simm.s32 $0x200  }
.LBB2_12:
0xa7: {  	[hbm4b:s20+s2] =	stream.linear.scatter [tilespmem:s18], [sflag:$0x2], $0x80, $0x38;
	[tilespmem:$0xAB00] =	vst v63  }
0xa8: {  	s20 =	smov.u32 s17;
	s18 =	smov.u32 s19;
	p1 =	seq.s32 s17, $0x3E00  }
.Ltmp5:
0xa9: {  	s17 =	sadd.s32 $0x200, s17;
	(pc) =	sbr.rel @!p1 .LBB2_12-.Ltmp5, $2  }
0xaa: {  	_ =	sdelay $0x2  }
0xab: {  	s19 =	sadd.s32 $0x88, s19;
	s20 =	sadd.s32 s20, s16  }
0xac: {  	[hbm4b:s20+s2] =	stream.linear.scatter [tilespmem:s18], [sflag:$0x2], $0x80, $0x38;
	[tilespmem:$0xAB00] =	vst v63  }
0xad: {  	p1 =	seq.s32 s15, $0xC8  }
.Ltmp6:
0xae: {  	_ = 	snop;
	(pc) =	sbr.rel @!p1 .LBB2_5-.Ltmp6, $2  }
0xaf: {  	_ =	sdelay $0x2  }
0xb0: {  	p0 =	por !p0, !p0;
	s16 =	smov.u32 s15  }
0xb1: {  	s14 =	sadd.s32 $0x1, s14  }
0xb2: {  	_ =	swait.ge [sflag:s13], $0x1000;
	p0 =	sne.s32 s14, s7  }
.Ltmp7:
0xb3: {  	[sflag:s13] =	ssyncset.done $0x0;
	(pc) =	sbr.rel @p0 .LBB2_1-.Ltmp7, $4  }
0xb4: {  	[sflag:s13] =	ssyncadd.s32 $0xFFFFF000  }
0xb5: {  	_ =	swait.ge [sflag:s13], $0x1000  }
0xb6: {  	[sflag:s13] =	ssyncset.done $0x0  }
0xb7: {  	[sflag:s13] =	ssyncadd.s32 $0xFFFFF000  }
0xb8: {  	_ =	sfence.sel $0x180000  }
0xb9: {  	[bflag:$0x0] =	sbarrier.arrive $0xFFFF  }
0xba: {  	p0 =	sne.s32 s1, $0x0;
	_ =	strace $0x90000047  }
0xbb: {  	s0 =	sadd.s32 @!p0 $0x100000, s0;
	[bflag:$0x2] =	sbarrier.arrive $0xFFFF  }
0xbc: {  	[sflag:s0] =	ssyncadd.tile.s32 @!p0 $0x1;
	_ =	shalt  }
.Lfunc_end2:
_tile_overlayer_lowered:
.L_overlay_start_2:
0xbd: {  	(tag) =	ssettag $0x2  }
0xbe: {  	s0 =	rddreg [dreg:$0x0];
	s2 =	stileid.u32  }
0xbf: {  	s1 =	rddreg [dreg:$0x1];
	p0 =	sne.s32 s2, $0x0  }
0xc0: {  	s3 =	rddreg [dreg:$0x2];
	[bflag:$0x3] =	sbarrier.arrive $0xFFFF;
	s2 =	simm.s32 @!p0 $0x1C03  }
0xc1: {  	[timem:s3], [sflag:s2] =	dma.local @!p0 [hbm:s0], s1  }
0xc2: {  	s0 =	simm.s32 @!p0 $0x3  }
0xc3: {  	_ =	swait.ge @!p0 [sflag:s0], s1  }
0xc4: {  	s1 =	ssub.s32 @!p0 $0x0, s1;
	[sflag:s0] =	ssyncset.done @!p0 $0x0  }
0xc5: {  	[sflag:s0] =	ssyncadd.s32 @!p0 s1  }
0xc6: {  	[bflag:$0x3] =	sbarrier.arrive $0xFFFF  }
0xc7: {  	_ =	shalt  }

</sc_bundles>
